<compile_context>
chip_gen: v7x
topology: tpu7x:2x2x1
jax: 0.10.2.dev20260603
libtpu: 0.0.44.dev20260713+nightly
codegen_flags: <defaults>
</compile_context>

<pallas_src>
import functools

import jax
import jax.numpy as jnp
from jax import lax
from jax.experimental import pallas as pl
from jax.experimental.pallas import tpu as pltpu
from jax.experimental.pallas import tpu_sc as plsc

B = 16384
K = 16
PACK = 8
WIDE = PACK * K

_info = plsc.get_sparse_core_info()
NC = _info.num_cores
NS = _info.num_subcores
NW = NC * NS
BPW = B // NW
NBUF = 8
OROW = BPW // PACK


def _gather_sc(uidx, iidx, wt, ht):
    mesh = plsc.VectorSubcoreMesh(core_axis_name="c", subcore_axis_name="s")

    scratch = (
        [pltpu.VMEM((BPW + K,), jnp.int32)] * 2
        + [pltpu.VMEM((K, WIDE), jnp.float32)] * (2 * NBUF)
        + [pltpu.VMEM((OROW, WIDE), jnp.float32)] * 2
        + [pltpu.SemaphoreType.DMA] * (2 * NBUF)
    )

    @functools.partial(
        pl.kernel,
        mesh=mesh,
        compiler_params=pltpu.CompilerParams(needs_layout_passes=False),
        out_type=(
            jax.ShapeDtypeStruct((B // PACK, WIDE), jnp.float32),
            jax.ShapeDtypeStruct((B // PACK, WIDE), jnp.float32),
        ),
        scratch_types=scratch,
    )
    def k(uidx_hbm, iidx_hbm, w_hbm, h_hbm,
          u_out, v_out, *sc):
        uidx_v, iidx_v = sc[0:2]
        ubufs = sc[2:2 + NBUF]
        vbufs = sc[2 + NBUF:2 + 2 * NBUF]
        upack, vpack = sc[2 + 2 * NBUF:4 + 2 * NBUF]
        usems = sc[4 + 2 * NBUF:4 + 3 * NBUF]
        vsems = sc[4 + 3 * NBUF:4 + 4 * NBUF]

        wid = lax.axis_index("s") * NC + lax.axis_index("c")
        base = wid * BPW
        pltpu.sync_copy(uidx_hbm.at[pl.ds(base, BPW)],
                        uidx_v.at[pl.ds(0, BPW)])
        pltpu.sync_copy(iidx_hbm.at[pl.ds(base, BPW)],
                        iidx_v.at[pl.ds(0, BPW)])

        iota = lax.iota(jnp.int32, K)

        def fire(tbl, idx_v, buf, sem, r):
            raw = idx_v[pl.ds(r, K)][0]
            s = pl.multiple_of(lax.shift_right_logical(raw, 7) * WIDE, WIDE)
            pltpu.async_copy(tbl.at[:, pl.ds(s, WIDE)], buf, sem)

        def wait(tbl, buf, sem):
            pltpu.make_async_copy(tbl.at[:, pl.ds(0, WIDE)], buf, sem).wait()

        def extract(buf, idx_v, pack_buf, r):
            col = plsc.load_gather(idx_v, [jnp.full((K,), r, jnp.int32)]) & 127
            vals = plsc.load_gather(buf, [iota, col])
            prow = jnp.full((K,), lax.shift_right_logical(r, 3), jnp.int32)
            pcol = (r & 7) * K + iota
            plsc.store_scatter(pack_buf, [prow, pcol], vals)

        for b in range(NBUF):
            fire(w_hbm, uidx_v, ubufs[b], usems[b], b)
            fire(h_hbm, iidx_v, vbufs[b], vsems[b], b)

        def body(t, carry):
            for b in range(NBUF):
                r = t * NBUF + b
                wait(w_hbm, ubufs[b], usems[b])
                extract(ubufs[b], uidx_v, upack, r)
                fire(w_hbm, uidx_v, ubufs[b], usems[b], r + NBUF)
                wait(h_hbm, vbufs[b], vsems[b])
                extract(vbufs[b], iidx_v, vpack, r)
                fire(h_hbm, iidx_v, vbufs[b], vsems[b], r + NBUF)
            return carry

        lax.fori_loop(0, BPW // NBUF - 1, body, 0)

        for b in range(NBUF):
            r = BPW - NBUF + b
            wait(w_hbm, ubufs[b], usems[b])
            extract(ubufs[b], uidx_v, upack, r)
            wait(h_hbm, vbufs[b], vsems[b])
            extract(vbufs[b], iidx_v, vpack, r)

        pltpu.sync_copy(upack, u_out.at[pl.ds(wid * OROW, OROW)])
        pltpu.sync_copy(vpack, v_out.at[pl.ds(wid * OROW, OROW)])

    return k(uidx, iidx, wt, ht)


def _mlp_body(u_ref, v_ref, a_ref, b_ref, b1_ref, w2_ref, o_ref):
    h = jnp.dot(u_ref[...], a_ref[...], preferred_element_type=jnp.float32)
    h = h + jnp.dot(v_ref[...], b_ref[...], preferred_element_type=jnp.float32)
    h = jnp.maximum(h + b1_ref[...], 0.0)
    o_ref[...] = jnp.dot(h, w2_ref[...], preferred_element_type=jnp.float32)


def _mlp_tc(u, v, a, bm, b1t, w2b):
    return pl.pallas_call(
        _mlp_body,
        out_shape=jax.ShapeDtypeStruct((B // PACK, PACK), jnp.float32),
    )(u, v, a, bm, b1t, w2b)


def kernel(x, W_table, H_table, W_r_table, H_r_table, W1, b1, W2):
    uidx = x[:, 0]
    iidx = x[:, 1]
    wt = W_table.T
    ht = H_table.T
    u, v = _gather_sc(uidx, iidx, wt, ht)

    eye = jnp.eye(PACK, dtype=jnp.float32)
    a = jnp.kron(eye, W1[:, :K].T)
    bm = jnp.kron(eye, W1[:, K:].T)
    b1t = jnp.tile(b1, PACK).reshape(1, WIDE)
    w2b = jnp.kron(eye, W2.reshape(K, 1))
    out = _mlp_tc(u, v, a, bm, b1t, w2b)
    return out.reshape(B, 1)

# --- scband reference (transcript-rebuilt; emitter-appended) ---
"""Pipeline reference for scband-ncf-dib-77455440216522 (READ-ONLY COPY).

The authoritative reference and input builder live on the scoring server;
editing this copy changes nothing except your own understanding.
"""

import jax, jax.numpy as jnp
import numpy as np

NUM_USERS = 1000000
NUM_ITEMS = 1000000
EMB_K = 16
BATCH = 16384


def setup_inputs(seed: int = 0) -> dict:
    key = jax.random.key(seed)
    ks = jax.random.split(key, 8)
    x = jax.random.randint(ks[0], (BATCH, 2), 0, NUM_USERS, dtype=jnp.int32)
    W_table = jax.random.normal(ks[1], (NUM_USERS, EMB_K), dtype=jnp.float32)
    H_table = jax.random.normal(ks[2], (NUM_ITEMS, EMB_K), dtype=jnp.float32)
    W_r_table = jax.random.normal(ks[3], (NUM_USERS, EMB_K), dtype=jnp.float32)
    H_r_table = jax.random.normal(ks[4], (NUM_ITEMS, EMB_K), dtype=jnp.float32)
    # linear_1: in = 2*EMB_K, out = EMB_K (with bias); linear_2: in = EMB_K, out = 1 (no bias)
    lim1 = 1.0 / np.sqrt(2 * EMB_K)
    W1 = jax.random.uniform(ks[5], (EMB_K, 2 * EMB_K), dtype=jnp.float32, minval=-lim1, maxval=lim1)
    b1 = jax.random.uniform(ks[6], (EMB_K,), dtype=jnp.float32, minval=-lim1, maxval=lim1)
    lim2 = 1.0 / np.sqrt(EMB_K)
    W2 = jax.random.uniform(ks[7], (1, EMB_K), dtype=jnp.float32, minval=-lim2, maxval=lim2)
    return {"x": x, "W_table": W_table, "H_table": H_table, "W_r_table": W_r_table,
            "H_r_table": H_r_table, "W1": W1, "b1": b1, "W2": W2}


def reference(x, W_table, H_table, W_r_table, H_r_table, W1, b1, W2):
    user_idx = x[:, 0]
    item_idx = x[:, 1]
    U_emb = jnp.take(W_table, user_idx, axis=0)
    V_emb = jnp.take(H_table, item_idx, axis=0)
    U_emb_r = jnp.take(W_r_table, user_idx, axis=0)
    V_emb_r = jnp.take(H_r_table, item_idx, axis=0)
    U_emb_all = U_emb + U_emb_r
    V_emb_all = V_emb + V_emb_r
    z_emb = jnp.concatenate([U_emb, V_emb], axis=1)
    z_emb_r = jnp.concatenate([U_emb_r, V_emb_r], axis=1)
    z_emb_all = jnp.concatenate([U_emb_all, V_emb_all], axis=1)
    h1 = jax.nn.relu(z_emb @ W1.T + b1)
    out = h1 @ W2.T
    h1_r = jax.nn.relu(z_emb_r @ W1.T + b1)
    out_r = h1_r @ W2.T
    h1_all = jax.nn.relu(z_emb_all @ W1.T + b1)
    out_all = h1_all @ W2.T
    # is_training=False path returns only `out`
    return out

if __name__ == "__main__":
    import jax
    _d = setup_inputs()
    print(jax.jit(kernel)(*tuple(_d.values())))

</pallas_src>

<mosaic_0001>
#map = affine_map<(d0, d1) -> (0)>
#map1 = affine_map<(d0, d1) -> (0, 0)>
module attributes {stable_mosaic.version = 14 : i64} {
  func.func @k(%arg0: i32, %arg1: i32, %arg2: memref<16384xi32, #tpu.memory_space<hbm>>, %arg3: memref<16384xi32, #tpu.memory_space<hbm>>, %arg4: memref<16x1000000xf32, #tpu.memory_space<hbm>>, %arg5: memref<16x1000000xf32, #tpu.memory_space<hbm>>, %arg6: memref<2048x128xf32, #tpu.memory_space<hbm>>, %arg7: memref<2048x128xf32, #tpu.memory_space<hbm>>, %arg8: memref<528xi32, #tpu.memory_space<vmem>>, %arg9: memref<528xi32, #tpu.memory_space<vmem>>, %arg10: memref<16x128xf32, #tpu.memory_space<vmem>>, %arg11: memref<16x128xf32, #tpu.memory_space<vmem>>, %arg12: memref<16x128xf32, #tpu.memory_space<vmem>>, %arg13: memref<16x128xf32, #tpu.memory_space<vmem>>, %arg14: memref<16x128xf32, #tpu.memory_space<vmem>>, %arg15: memref<16x128xf32, #tpu.memory_space<vmem>>, %arg16: memref<16x128xf32, #tpu.memory_space<vmem>>, %arg17: memref<16x128xf32, #tpu.memory_space<vmem>>, %arg18: memref<16x128xf32, #tpu.memory_space<vmem>>, %arg19: memref<16x128xf32, #tpu.memory_space<vmem>>, %arg20: memref<16x128xf32, #tpu.memory_space<vmem>>, %arg21: memref<16x128xf32, #tpu.memory_space<vmem>>, %arg22: memref<16x128xf32, #tpu.memory_space<vmem>>, %arg23: memref<16x128xf32, #tpu.memory_space<vmem>>, %arg24: memref<16x128xf32, #tpu.memory_space<vmem>>, %arg25: memref<16x128xf32, #tpu.memory_space<vmem>>, %arg26: memref<64x128xf32, #tpu.memory_space<vmem>>, %arg27: memref<64x128xf32, #tpu.memory_space<vmem>>, %arg28: memref<!tpu.dma_semaphore, #tpu.memory_space<semaphore_mem>>, %arg29: memref<!tpu.dma_semaphore, #tpu.memory_space<semaphore_mem>>, %arg30: memref<!tpu.dma_semaphore, #tpu.memory_space<semaphore_mem>>, %arg31: memref<!tpu.dma_semaphore, #tpu.memory_space<semaphore_mem>>, %arg32: memref<!tpu.dma_semaphore, #tpu.memory_space<semaphore_mem>>, %arg33: memref<!tpu.dma_semaphore, #tpu.memory_space<semaphore_mem>>, %arg34: memref<!tpu.dma_semaphore, #tpu.memory_space<semaphore_mem>>, %arg35: memref<!tpu.dma_semaphore, #tpu.memory_space<semaphore_mem>>, %arg36: memref<!tpu.dma_semaphore, #tpu.memory_space<semaphore_mem>>, %arg37: memref<!tpu.dma_semaphore, #tpu.memory_space<semaphore_mem>>, %arg38: memref<!tpu.dma_semaphore, #tpu.memory_space<semaphore_mem>>, %arg39: memref<!tpu.dma_semaphore, #tpu.memory_space<semaphore_mem>>, %arg40: memref<!tpu.dma_semaphore, #tpu.memory_space<semaphore_mem>>, %arg41: memref<!tpu.dma_semaphore, #tpu.memory_space<semaphore_mem>>, %arg42: memref<!tpu.dma_semaphore, #tpu.memory_space<semaphore_mem>>, %arg43: memref<!tpu.dma_semaphore, #tpu.memory_space<semaphore_mem>>) attributes {dimension_semantics = [#tpu.dimension_semantics<core_parallel>, #tpu.dimension_semantics<subcore_parallel>], iteration_bounds = array<i64: 2, 16>, scalar_prefetch = 0 : i64, scratch_operands = 36 : i64, tpu.core_type = #tpu.core_type<sc_vector_subcore>, window_params = [{transform_indices = #map}, {transform_indices = #map}, {transform_indices = #map1}, {transform_indices = #map1}, {transform_indices = #map1}, {transform_indices = #map1}]} {
    %mul3A = arith.constant 2 : i32
    %mul3A_0 = arith.muli %arg1, %mul3A : i32
    %add3A = arith.addi %mul3A_0, %arg0 : i32
    %mul3A_1 = arith.constant 512 : i32
    %mul3A_2 = arith.muli %add3A, %mul3A_1 : i32
    "tpu.region"() ({
      %run_scoped3A = tpu.sem_alloc : memref<!tpu.dma_semaphore, #tpu.memory_space<semaphore_mem>>
      %dma_start3A_530 = arith.constant 0 : i32
      %dma_start3A_531 = tpu.memref_slice %arg8[%dma_start3A_530] : memref<528xi32, #tpu.memory_space<vmem>> -> memref<512xi32, #tpu.memory_space<vmem>>
      %dma_start3A_532 = tpu.memref_slice %arg2[%mul3A_2] : memref<16384xi32, #tpu.memory_space<hbm>> -> memref<512xi32, #tpu.memory_space<hbm>>
      %dma_start3A_533 = arith.constant 0 : i32
      %dma_start3A_534 = tpu.memref_slice %arg8[%dma_start3A_533] : memref<528xi32, #tpu.memory_space<vmem>> -> memref<512xi32, #tpu.memory_space<vmem>>
      %dma_start3A_535 = tpu.memref_slice %arg2[%mul3A_2] : memref<16384xi32, #tpu.memory_space<hbm>> -> memref<512xi32, #tpu.memory_space<hbm>>
      tpu.enqueue_dma source(%dma_start3A_535 : memref<512xi32, #tpu.memory_space<hbm>>) target(%dma_start3A_534 : memref<512xi32, #tpu.memory_space<vmem>>) target_semaphore(%run_scoped3A : memref<!tpu.dma_semaphore, #tpu.memory_space<semaphore_mem>>)
      %dma_wait3A_536 = arith.constant 0 : i32
      %dma_wait3A_537 = tpu.memref_slice %arg8[%dma_wait3A_536] : memref<528xi32, #tpu.memory_space<vmem>> -> memref<512xi32, #tpu.memory_space<vmem>>
      %dma_wait3A_538 = tpu.memref_slice %arg2[%mul3A_2] : memref<16384xi32, #tpu.memory_space<hbm>> -> memref<512xi32, #tpu.memory_space<hbm>>
      %dma_wait3A_539 = arith.constant 0 : i32
      %dma_wait3A_540 = tpu.memref_slice %arg8[%dma_wait3A_539] : memref<528xi32, #tpu.memory_space<vmem>> -> memref<512xi32, #tpu.memory_space<vmem>>
      %dma_wait3A_541 = tpu.memref_slice %arg2[%mul3A_2] : memref<16384xi32, #tpu.memory_space<hbm>> -> memref<512xi32, #tpu.memory_space<hbm>>
      tpu.wait_dma2 semaphore(%run_scoped3A : memref<!tpu.dma_semaphore, #tpu.memory_space<semaphore_mem>>) src(%dma_wait3A_541 : memref<512xi32, #tpu.memory_space<hbm>>) dst(%dma_wait3A_540 : memref<512xi32, #tpu.memory_space<vmem>>)
      tpu.yield
    }) : () -> ()
    "tpu.region"() ({
      %run_scoped3A = tpu.sem_alloc : memref<!tpu.dma_semaphore, #tpu.memory_space<semaphore_mem>>
      %dma_start3A_530 = arith.constant 0 : i32
      %dma_start3A_531 = tpu.memref_slice %arg9[%dma_start3A_530] : memref<528xi32, #tpu.memory_space<vmem>> -> memref<512xi32, #tpu.memory_space<vmem>>
      %dma_start3A_532 = tpu.memref_slice %arg3[%mul3A_2] : memref<16384xi32, #tpu.memory_space<hbm>> -> memref<512xi32, #tpu.memory_space<hbm>>
      %dma_start3A_533 = arith.constant 0 : i32
      %dma_start3A_534 = tpu.memref_slice %arg9[%dma_start3A_533] : memref<528xi32, #tpu.memory_space<vmem>> -> memref<512xi32, #tpu.memory_space<vmem>>
      %dma_start3A_535 = tpu.memref_slice %arg3[%mul3A_2] : memref<16384xi32, #tpu.memory_space<hbm>> -> memref<512xi32, #tpu.memory_space<hbm>>
      tpu.enqueue_dma source(%dma_start3A_535 : memref<512xi32, #tpu.memory_space<hbm>>) target(%dma_start3A_534 : memref<512xi32, #tpu.memory_space<vmem>>) target_semaphore(%run_scoped3A : memref<!tpu.dma_semaphore, #tpu.memory_space<semaphore_mem>>)
      %dma_wait3A_536 = arith.constant 0 : i32
      %dma_wait3A_537 = tpu.memref_slice %arg9[%dma_wait3A_536] : memref<528xi32, #tpu.memory_space<vmem>> -> memref<512xi32, #tpu.memory_space<vmem>>
      %dma_wait3A_538 = tpu.memref_slice %arg3[%mul3A_2] : memref<16384xi32, #tpu.memory_space<hbm>> -> memref<512xi32, #tpu.memory_space<hbm>>
      %dma_wait3A_539 = arith.constant 0 : i32
      %dma_wait3A_540 = tpu.memref_slice %arg9[%dma_wait3A_539] : memref<528xi32, #tpu.memory_space<vmem>> -> memref<512xi32, #tpu.memory_space<vmem>>
      %dma_wait3A_541 = tpu.memref_slice %arg3[%mul3A_2] : memref<16384xi32, #tpu.memory_space<hbm>> -> memref<512xi32, #tpu.memory_space<hbm>>
      tpu.wait_dma2 semaphore(%run_scoped3A : memref<!tpu.dma_semaphore, #tpu.memory_space<semaphore_mem>>) src(%dma_wait3A_541 : memref<512xi32, #tpu.memory_space<hbm>>) dst(%dma_wait3A_540 : memref<512xi32, #tpu.memory_space<vmem>>)
      tpu.yield
    }) : () -> ()
    %iota3A = tpu.iota {dimensions = array<i32: 0>} : vector<16xi32>
    %get3A = arith.constant 0 : index
    %get3A_3 = tpu.vector_load %arg8[%get3A] {strides = array<i32>} : memref<528xi32, #tpu.memory_space<vmem>>, vector<16xi32>,
    %slice3A = vector.extract_strided_slice %get3A_3 {offsets = [0], sizes = [1], strides = [1]} : vector<16xi32> to vector<1xi32>
    %squeeze3A = vector.extract %slice3A[0] : i32 from vector<1xi32>
    %shift_right_logical3A = arith.constant 7 : i32
    %shift_right_logical3A_4 = arith.shrui %squeeze3A, %shift_right_logical3A : i32
    %mul3A_5 = arith.constant 128 : i32
    %mul3A_6 = arith.muli %shift_right_logical3A_4, %mul3A_5 : i32
    %multiple_of3A = tpu.assume_multiple %mul3A_6, 128 : i32
    %dma_start3A = arith.constant 0 : i32
    %dma_start3A_7 = tpu.memref_slice %arg4[%dma_start3A, %multiple_of3A] : memref<16x1000000xf32, #tpu.memory_space<hbm>> -> memref<16x128xf32, #tpu.memory_space<hbm>>
    %dma_start3A_8 = arith.constant 0 : i32
    %dma_start3A_9 = tpu.memref_slice %arg4[%dma_start3A_8, %multiple_of3A] : memref<16x1000000xf32, #tpu.memory_space<hbm>> -> memref<16x128xf32, #tpu.memory_space<hbm>>
    tpu.enqueue_dma source(%dma_start3A_9 : memref<16x128xf32, #tpu.memory_space<hbm>>) target(%arg10 : memref<16x128xf32, #tpu.memory_space<vmem>>) target_semaphore(%arg28 : memref<!tpu.dma_semaphore, #tpu.memory_space<semaphore_mem>>)
    %get3A_10 = arith.constant 0 : index
    %get3A_11 = tpu.vector_load %arg9[%get3A_10] {strides = array<i32>} : memref<528xi32, #tpu.memory_space<vmem>>, vector<16xi32>,
    %slice3A_12 = vector.extract_strided_slice %get3A_11 {offsets = [0], sizes = [1], strides = [1]} : vector<16xi32> to vector<1xi32>
    %squeeze3A_13 = vector.extract %slice3A_12[0] : i32 from vector<1xi32>
    %shift_right_logical3A_14 = arith.constant 7 : i32
    %shift_right_logical3A_15 = arith.shrui %squeeze3A_13, %shift_right_logical3A_14 : i32
    %mul3A_16 = arith.constant 128 : i32
    %mul3A_17 = arith.muli %shift_right_logical3A_15, %mul3A_16 : i32
    %multiple_of3A_18 = tpu.assume_multiple %mul3A_17, 128 : i32
    %dma_start3A_19 = arith.constant 0 : i32
    %dma_start3A_20 = tpu.memref_slice %arg5[%dma_start3A_19, %multiple_of3A_18] : memref<16x1000000xf32, #tpu.memory_space<hbm>> -> memref<16x128xf32, #tpu.memory_space<hbm>>
    %dma_start3A_21 = arith.constant 0 : i32
    %dma_start3A_22 = tpu.memref_slice %arg5[%dma_start3A_21, %multiple_of3A_18] : memref<16x1000000xf32, #tpu.memory_space<hbm>> -> memref<16x128xf32, #tpu.memory_space<hbm>>
    tpu.enqueue_dma source(%dma_start3A_22 : memref<16x128xf32, #tpu.memory_space<hbm>>) target(%arg18 : memref<16x128xf32, #tpu.memory_space<vmem>>) target_semaphore(%arg36 : memref<!tpu.dma_semaphore, #tpu.memory_space<semaphore_mem>>)
    %get3A_23 = arith.constant 1 : index
    %get3A_24 = tpu.vector_load %arg8[%get3A_23] {strides = array<i32>} : memref<528xi32, #tpu.memory_space<vmem>>, vector<16xi32>,
    %slice3A_25 = vector.extract_strided_slice %get3A_24 {offsets = [0], sizes = [1], strides = [1]} : vector<16xi32> to vector<1xi32>
    %squeeze3A_26 = vector.extract %slice3A_25[0] : i32 from vector<1xi32>
    %shift_right_logical3A_27 = arith.constant 7 : i32
    %shift_right_logical3A_28 = arith.shrui %squeeze3A_26, %shift_right_logical3A_27 : i32
    %mul3A_29 = arith.constant 128 : i32
    %mul3A_30 = arith.muli %shift_right_logical3A_28, %mul3A_29 : i32
    %multiple_of3A_31 = tpu.assume_multiple %mul3A_30, 128 : i32
    %dma_start3A_32 = arith.constant 0 : i32
    %dma_start3A_33 = tpu.memref_slice %arg4[%dma_start3A_32, %multiple_of3A_31] : memref<16x1000000xf32, #tpu.memory_space<hbm>> -> memref<16x128xf32, #tpu.memory_space<hbm>>
    %dma_start3A_34 = arith.constant 0 : i32
    %dma_start3A_35 = tpu.memref_slice %arg4[%dma_start3A_34, %multiple_of3A_31] : memref<16x1000000xf32, #tpu.memory_space<hbm>> -> memref<16x128xf32, #tpu.memory_space<hbm>>
    tpu.enqueue_dma source(%dma_start3A_35 : memref<16x128xf32, #tpu.memory_space<hbm>>) target(%arg11 : memref<16x128xf32, #tpu.memory_space<vmem>>) target_semaphore(%arg29 : memref<!tpu.dma_semaphore, #tpu.memory_space<semaphore_mem>>)
    %get3A_36 = arith.constant 1 : index
    %get3A_37 = tpu.vector_load %arg9[%get3A_36] {strides = array<i32>} : memref<528xi32, #tpu.memory_space<vmem>>, vector<16xi32>,
    %slice3A_38 = vector.extract_strided_slice %get3A_37 {offsets = [0], sizes = [1], strides = [1]} : vector<16xi32> to vector<1xi32>
    %squeeze3A_39 = vector.extract %slice3A_38[0] : i32 from vector<1xi32>
    %shift_right_logical3A_40 = arith.constant 7 : i32
    %shift_right_logical3A_41 = arith.shrui %squeeze3A_39, %shift_right_logical3A_40 : i32
    %mul3A_42 = arith.constant 128 : i32
    %mul3A_43 = arith.muli %shift_right_logical3A_41, %mul3A_42 : i32
    %multiple_of3A_44 = tpu.assume_multiple %mul3A_43, 128 : i32
    %dma_start3A_45 = arith.constant 0 : i32
    %dma_start3A_46 = tpu.memref_slice %arg5[%dma_start3A_45, %multiple_of3A_44] : memref<16x1000000xf32, #tpu.memory_space<hbm>> -> memref<16x128xf32, #tpu.memory_space<hbm>>
    %dma_start3A_47 = arith.constant 0 : i32
    %dma_start3A_48 = tpu.memref_slice %arg5[%dma_start3A_47, %multiple_of3A_44] : memref<16x1000000xf32, #tpu.memory_space<hbm>> -> memref<16x128xf32, #tpu.memory_space<hbm>>
    tpu.enqueue_dma source(%dma_start3A_48 : memref<16x128xf32, #tpu.memory_space<hbm>>) target(%arg19 : memref<16x128xf32, #tpu.memory_space<vmem>>) target_semaphore(%arg37 : memref<!tpu.dma_semaphore, #tpu.memory_space<semaphore_mem>>)
    %get3A_49 = arith.constant 2 : index
    %get3A_50 = tpu.vector_load %arg8[%get3A_49] {strides = array<i32>} : memref<528xi32, #tpu.memory_space<vmem>>, vector<16xi32>,
    %slice3A_51 = vector.extract_strided_slice %get3A_50 {offsets = [0], sizes = [1], strides = [1]} : vector<16xi32> to vector<1xi32>
    %squeeze3A_52 = vector.extract %slice3A_51[0] : i32 from vector<1xi32>
    %shift_right_logical3A_53 = arith.constant 7 : i32
    %shift_right_logical3A_54 = arith.shrui %squeeze3A_52, %shift_right_logical3A_53 : i32
    %mul3A_55 = arith.constant 128 : i32
    %mul3A_56 = arith.muli %shift_right_logical3A_54, %mul3A_55 : i32
    %multiple_of3A_57 = tpu.assume_multiple %mul3A_56, 128 : i32
    %dma_start3A_58 = arith.constant 0 : i32
    %dma_start3A_59 = tpu.memref_slice %arg4[%dma_start3A_58, %multiple_of3A_57] : memref<16x1000000xf32, #tpu.memory_space<hbm>> -> memref<16x128xf32, #tpu.memory_space<hbm>>
    %dma_start3A_60 = arith.constant 0 : i32
    %dma_start3A_61 = tpu.memref_slice %arg4[%dma_start3A_60, %multiple_of3A_57] : memref<16x1000000xf32, #tpu.memory_space<hbm>> -> memref<16x128xf32, #tpu.memory_space<hbm>>
    tpu.enqueue_dma source(%dma_start3A_61 : memref<16x128xf32, #tpu.memory_space<hbm>>) target(%arg12 : memref<16x128xf32, #tpu.memory_space<vmem>>) target_semaphore(%arg30 : memref<!tpu.dma_semaphore, #tpu.memory_space<semaphore_mem>>)
    %get3A_62 = arith.constant 2 : index
    %get3A_63 = tpu.vector_load %arg9[%get3A_62] {strides = array<i32>} : memref<528xi32, #tpu.memory_space<vmem>>, vector<16xi32>,
    %slice3A_64 = vector.extract_strided_slice %get3A_63 {offsets = [0], sizes = [1], strides = [1]} : vector<16xi32> to vector<1xi32>
    %squeeze3A_65 = vector.extract %slice3A_64[0] : i32 from vector<1xi32>
    %shift_right_logical3A_66 = arith.constant 7 : i32
    %shift_right_logical3A_67 = arith.shrui %squeeze3A_65, %shift_right_logical3A_66 : i32
    %mul3A_68 = arith.constant 128 : i32
    %mul3A_69 = arith.muli %shift_right_logical3A_67, %mul3A_68 : i32
    %multiple_of3A_70 = tpu.assume_multiple %mul3A_69, 128 : i32
    %dma_start3A_71 = arith.constant 0 : i32
    %dma_start3A_72 = tpu.memref_slice %arg5[%dma_start3A_71, %multiple_of3A_70] : memref<16x1000000xf32, #tpu.memory_space<hbm>> -> memref<16x128xf32, #tpu.memory_space<hbm>>
    %dma_start3A_73 = arith.constant 0 : i32
    %dma_start3A_74 = tpu.memref_slice %arg5[%dma_start3A_73, %multiple_of3A_70] : memref<16x1000000xf32, #tpu.memory_space<hbm>> -> memref<16x128xf32, #tpu.memory_space<hbm>>
    tpu.enqueue_dma source(%dma_start3A_74 : memref<16x128xf32, #tpu.memory_space<hbm>>) target(%arg20 : memref<16x128xf32, #tpu.memory_space<vmem>>) target_semaphore(%arg38 : memref<!tpu.dma_semaphore, #tpu.memory_space<semaphore_mem>>)
    %get3A_75 = arith.constant 3 : index
    %get3A_76 = tpu.vector_load %arg8[%get3A_75] {strides = array<i32>} : memref<528xi32, #tpu.memory_space<vmem>>, vector<16xi32>,
    %slice3A_77 = vector.extract_strided_slice %get3A_76 {offsets = [0], sizes = [1], strides = [1]} : vector<16xi32> to vector<1xi32>
    %squeeze3A_78 = vector.extract %slice3A_77[0] : i32 from vector<1xi32>
    %shift_right_logical3A_79 = arith.constant 7 : i32
    %shift_right_logical3A_80 = arith.shrui %squeeze3A_78, %shift_right_logical3A_79 : i32
    %mul3A_81 = arith.constant 128 : i32
    %mul3A_82 = arith.muli %shift_right_logical3A_80, %mul3A_81 : i32
    %multiple_of3A_83 = tpu.assume_multiple %mul3A_82, 128 : i32
    %dma_start3A_84 = arith.constant 0 : i32
    %dma_start3A_85 = tpu.memref_slice %arg4[%dma_start3A_84, %multiple_of3A_83] : memref<16x1000000xf32, #tpu.memory_space<hbm>> -> memref<16x128xf32, #tpu.memory_space<hbm>>
    %dma_start3A_86 = arith.constant 0 : i32
    %dma_start3A_87 = tpu.memref_slice %arg4[%dma_start3A_86, %multiple_of3A_83] : memref<16x1000000xf32, #tpu.memory_space<hbm>> -> memref<16x128xf32, #tpu.memory_space<hbm>>
    tpu.enqueue_dma source(%dma_start3A_87 : memref<16x128xf32, #tpu.memory_space<hbm>>) target(%arg13 : memref<16x128xf32, #tpu.memory_space<vmem>>) target_semaphore(%arg31 : memref<!tpu.dma_semaphore, #tpu.memory_space<semaphore_mem>>)
    %get3A_88 = arith.constant 3 : index
    %get3A_89 = tpu.vector_load %arg9[%get3A_88] {strides = array<i32>} : memref<528xi32, #tpu.memory_space<vmem>>, vector<16xi32>,
    %slice3A_90 = vector.extract_strided_slice %get3A_89 {offsets = [0], sizes = [1], strides = [1]} : vector<16xi32> to vector<1xi32>
    %squeeze3A_91 = vector.extract %slice3A_90[0] : i32 from vector<1xi32>
    %shift_right_logical3A_92 = arith.constant 7 : i32
    %shift_right_logical3A_93 = arith.shrui %squeeze3A_91, %shift_right_logical3A_92 : i32
    %mul3A_94 = arith.constant 128 : i32
    %mul3A_95 = arith.muli %shift_right_logical3A_93, %mul3A_94 : i32
    %multiple_of3A_96 = tpu.assume_multiple %mul3A_95, 128 : i32
    %dma_start3A_97 = arith.constant 0 : i32
    %dma_start3A_98 = tpu.memref_slice %arg5[%dma_start3A_97, %multiple_of3A_96] : memref<16x1000000xf32, #tpu.memory_space<hbm>> -> memref<16x128xf32, #tpu.memory_space<hbm>>
    %dma_start3A_99 = arith.constant 0 : i32
    %dma_start3A_100 = tpu.memref_slice %arg5[%dma_start3A_99, %multiple_of3A_96] : memref<16x1000000xf32, #tpu.memory_space<hbm>> -> memref<16x128xf32, #tpu.memory_space<hbm>>
    tpu.enqueue_dma source(%dma_start3A_100 : memref<16x128xf32, #tpu.memory_space<hbm>>) target(%arg21 : memref<16x128xf32, #tpu.memory_space<vmem>>) target_semaphore(%arg39 : memref<!tpu.dma_semaphore, #tpu.memory_space<semaphore_mem>>)
    %get3A_101 = arith.constant 4 : index
    %get3A_102 = tpu.vector_load %arg8[%get3A_101] {strides = array<i32>} : memref<528xi32, #tpu.memory_space<vmem>>, vector<16xi32>,
    %slice3A_103 = vector.extract_strided_slice %get3A_102 {offsets = [0], sizes = [1], strides = [1]} : vector<16xi32> to vector<1xi32>
    %squeeze3A_104 = vector.extract %slice3A_103[0] : i32 from vector<1xi32>
    %shift_right_logical3A_105 = arith.constant 7 : i32
    %shift_right_logical3A_106 = arith.shrui %squeeze3A_104, %shift_right_logical3A_105 : i32
    %mul3A_107 = arith.constant 128 : i32
    %mul3A_108 = arith.muli %shift_right_logical3A_106, %mul3A_107 : i32
    %multiple_of3A_109 = tpu.assume_multiple %mul3A_108, 128 : i32
    %dma_start3A_110 = arith.constant 0 : i32
    %dma_start3A_111 = tpu.memref_slice %arg4[%dma_start3A_110, %multiple_of3A_109] : memref<16x1000000xf32, #tpu.memory_space<hbm>> -> memref<16x128xf32, #tpu.memory_space<hbm>>
    %dma_start3A_112 = arith.constant 0 : i32
    %dma_start3A_113 = tpu.memref_slice %arg4[%dma_start3A_112, %multiple_of3A_109] : memref<16x1000000xf32, #tpu.memory_space<hbm>> -> memref<16x128xf32, #tpu.memory_space<hbm>>
    tpu.enqueue_dma source(%dma_start3A_113 : memref<16x128xf32, #tpu.memory_space<hbm>>) target(%arg14 : memref<16x128xf32, #tpu.memory_space<vmem>>) target_semaphore(%arg32 : memref<!tpu.dma_semaphore, #tpu.memory_space<semaphore_mem>>)
    %get3A_114 = arith.constant 4 : index
    %get3A_115 = tpu.vector_load %arg9[%get3A_114] {strides = array<i32>} : memref<528xi32, #tpu.memory_space<vmem>>, vector<16xi32>,
    %slice3A_116 = vector.extract_strided_slice %get3A_115 {offsets = [0], sizes = [1], strides = [1]} : vector<16xi32> to vector<1xi32>
    %squeeze3A_117 = vector.extract %slice3A_116[0] : i32 from vector<1xi32>
    %shift_right_logical3A_118 = arith.constant 7 : i32
    %shift_right_logical3A_119 = arith.shrui %squeeze3A_117, %shift_right_logical3A_118 : i32
    %mul3A_120 = arith.constant 128 : i32
    %mul3A_121 = arith.muli %shift_right_logical3A_119, %mul3A_120 : i32
    %multiple_of3A_122 = tpu.assume_multiple %mul3A_121, 128 : i32
    %dma_start3A_123 = arith.constant 0 : i32
    %dma_start3A_124 = tpu.memref_slice %arg5[%dma_start3A_123, %multiple_of3A_122] : memref<16x1000000xf32, #tpu.memory_space<hbm>> -> memref<16x128xf32, #tpu.memory_space<hbm>>
    %dma_start3A_125 = arith.constant 0 : i32
    %dma_start3A_126 = tpu.memref_slice %arg5[%dma_start3A_125, %multiple_of3A_122] : memref<16x1000000xf32, #tpu.memory_space<hbm>> -> memref<16x128xf32, #tpu.memory_space<hbm>>
    tpu.enqueue_dma source(%dma_start3A_126 : memref<16x128xf32, #tpu.memory_space<hbm>>) target(%arg22 : memref<16x128xf32, #tpu.memory_space<vmem>>) target_semaphore(%arg40 : memref<!tpu.dma_semaphore, #tpu.memory_space<semaphore_mem>>)
    %get3A_127 = arith.constant 5 : index
    %get3A_128 = tpu.vector_load %arg8[%get3A_127] {strides = array<i32>} : memref<528xi32, #tpu.memory_space<vmem>>, vector<16xi32>,
    %slice3A_129 = vector.extract_strided_slice %get3A_128 {offsets = [0], sizes = [1], strides = [1]} : vector<16xi32> to vector<1xi32>
    %squeeze3A_130 = vector.extract %slice3A_129[0] : i32 from vector<1xi32>
    %shift_right_logical3A_131 = arith.constant 7 : i32
    %shift_right_logical3A_132 = arith.shrui %squeeze3A_130, %shift_right_logical3A_131 : i32
    %mul3A_133 = arith.constant 128 : i32
    %mul3A_134 = arith.muli %shift_right_logical3A_132, %mul3A_133 : i32
    %multiple_of3A_135 = tpu.assume_multiple %mul3A_134, 128 : i32
    %dma_start3A_136 = arith.constant 0 : i32
    %dma_start3A_137 = tpu.memref_slice %arg4[%dma_start3A_136, %multiple_of3A_135] : memref<16x1000000xf32, #tpu.memory_space<hbm>> -> memref<16x128xf32, #tpu.memory_space<hbm>>
    %dma_start3A_138 = arith.constant 0 : i32
    %dma_start3A_139 = tpu.memref_slice %arg4[%dma_start3A_138, %multiple_of3A_135] : memref<16x1000000xf32, #tpu.memory_space<hbm>> -> memref<16x128xf32, #tpu.memory_space<hbm>>
    tpu.enqueue_dma source(%dma_start3A_139 : memref<16x128xf32, #tpu.memory_space<hbm>>) target(%arg15 : memref<16x128xf32, #tpu.memory_space<vmem>>) target_semaphore(%arg33 : memref<!tpu.dma_semaphore, #tpu.memory_space<semaphore_mem>>)
    %get3A_140 = arith.constant 5 : index
    %get3A_141 = tpu.vector_load %arg9[%get3A_140] {strides = array<i32>} : memref<528xi32, #tpu.memory_space<vmem>>, vector<16xi32>,
    %slice3A_142 = vector.extract_strided_slice %get3A_141 {offsets = [0], sizes = [1], strides = [1]} : vector<16xi32> to vector<1xi32>
    %squeeze3A_143 = vector.extract %slice3A_142[0] : i32 from vector<1xi32>
    %shift_right_logical3A_144 = arith.constant 7 : i32
    %shift_right_logical3A_145 = arith.shrui %squeeze3A_143, %shift_right_logical3A_144 : i32
    %mul3A_146 = arith.constant 128 : i32
    %mul3A_147 = arith.muli %shift_right_logical3A_145, %mul3A_146 : i32
    %multiple_of3A_148 = tpu.assume_multiple %mul3A_147, 128 : i32
    %dma_start3A_149 = arith.constant 0 : i32
    %dma_start3A_150 = tpu.memref_slice %arg5[%dma_start3A_149, %multiple_of3A_148] : memref<16x1000000xf32, #tpu.memory_space<hbm>> -> memref<16x128xf32, #tpu.memory_space<hbm>>
    %dma_start3A_151 = arith.constant 0 : i32
    %dma_start3A_152 = tpu.memref_slice %arg5[%dma_start3A_151, %multiple_of3A_148] : memref<16x1000000xf32, #tpu.memory_space<hbm>> -> memref<16x128xf32, #tpu.memory_space<hbm>>
    tpu.enqueue_dma source(%dma_start3A_152 : memref<16x128xf32, #tpu.memory_space<hbm>>) target(%arg23 : memref<16x128xf32, #tpu.memory_space<vmem>>) target_semaphore(%arg41 : memref<!tpu.dma_semaphore, #tpu.memory_space<semaphore_mem>>)
    %get3A_153 = arith.constant 6 : index
    %get3A_154 = tpu.vector_load %arg8[%get3A_153] {strides = array<i32>} : memref<528xi32, #tpu.memory_space<vmem>>, vector<16xi32>,
    %slice3A_155 = vector.extract_strided_slice %get3A_154 {offsets = [0], sizes = [1], strides = [1]} : vector<16xi32> to vector<1xi32>
    %squeeze3A_156 = vector.extract %slice3A_155[0] : i32 from vector<1xi32>
    %shift_right_logical3A_157 = arith.constant 7 : i32
    %shift_right_logical3A_158 = arith.shrui %squeeze3A_156, %shift_right_logical3A_157 : i32
    %mul3A_159 = arith.constant 128 : i32
    %mul3A_160 = arith.muli %shift_right_logical3A_158, %mul3A_159 : i32
    %multiple_of3A_161 = tpu.assume_multiple %mul3A_160, 128 : i32
    %dma_start3A_162 = arith.constant 0 : i32
    %dma_start3A_163 = tpu.memref_slice %arg4[%dma_start3A_162, %multiple_of3A_161] : memref<16x1000000xf32, #tpu.memory_space<hbm>> -> memref<16x128xf32, #tpu.memory_space<hbm>>
    %dma_start3A_164 = arith.constant 0 : i32
    %dma_start3A_165 = tpu.memref_slice %arg4[%dma_start3A_164, %multiple_of3A_161] : memref<16x1000000xf32, #tpu.memory_space<hbm>> -> memref<16x128xf32, #tpu.memory_space<hbm>>
    tpu.enqueue_dma source(%dma_start3A_165 : memref<16x128xf32, #tpu.memory_space<hbm>>) target(%arg16 : memref<16x128xf32, #tpu.memory_space<vmem>>) target_semaphore(%arg34 : memref<!tpu.dma_semaphore, #tpu.memory_space<semaphore_mem>>)
    %get3A_166 = arith.constant 6 : index
    %get3A_167 = tpu.vector_load %arg9[%get3A_166] {strides = array<i32>} : memref<528xi32, #tpu.memory_space<vmem>>, vector<16xi32>,
    %slice3A_168 = vector.extract_strided_slice %get3A_167 {offsets = [0], sizes = [1], strides = [1]} : vector<16xi32> to vector<1xi32>
    %squeeze3A_169 = vector.extract %slice3A_168[0] : i32 from vector<1xi32>
    %shift_right_logical3A_170 = arith.constant 7 : i32
    %shift_right_logical3A_171 = arith.shrui %squeeze3A_169, %shift_right_logical3A_170 : i32
    %mul3A_172 = arith.constant 128 : i32
    %mul3A_173 = arith.muli %shift_right_logical3A_171, %mul3A_172 : i32
    %multiple_of3A_174 = tpu.assume_multiple %mul3A_173, 128 : i32
    %dma_start3A_175 = arith.constant 0 : i32
    %dma_start3A_176 = tpu.memref_slice %arg5[%dma_start3A_175, %multiple_of3A_174] : memref<16x1000000xf32, #tpu.memory_space<hbm>> -> memref<16x128xf32, #tpu.memory_space<hbm>>
    %dma_start3A_177 = arith.constant 0 : i32
    %dma_start3A_178 = tpu.memref_slice %arg5[%dma_start3A_177, %multiple_of3A_174] : memref<16x1000000xf32, #tpu.memory_space<hbm>> -> memref<16x128xf32, #tpu.memory_space<hbm>>
    tpu.enqueue_dma source(%dma_start3A_178 : memref<16x128xf32, #tpu.memory_space<hbm>>) target(%arg24 : memref<16x128xf32, #tpu.memory_space<vmem>>) target_semaphore(%arg42 : memref<!tpu.dma_semaphore, #tpu.memory_space<semaphore_mem>>)
    %get3A_179 = arith.constant 7 : index
    %get3A_180 = tpu.vector_load %arg8[%get3A_179] {strides = array<i32>} : memref<528xi32, #tpu.memory_space<vmem>>, vector<16xi32>,
    %slice3A_181 = vector.extract_strided_slice %get3A_180 {offsets = [0], sizes = [1], strides = [1]} : vector<16xi32> to vector<1xi32>
    %squeeze3A_182 = vector.extract %slice3A_181[0] : i32 from vector<1xi32>
    %shift_right_logical3A_183 = arith.constant 7 : i32
    %shift_right_logical3A_184 = arith.shrui %squeeze3A_182, %shift_right_logical3A_183 : i32
    %mul3A_185 = arith.constant 128 : i32
    %mul3A_186 = arith.muli %shift_right_logical3A_184, %mul3A_185 : i32
    %multiple_of3A_187 = tpu.assume_multiple %mul3A_186, 128 : i32
    %dma_start3A_188 = arith.constant 0 : i32
    %dma_start3A_189 = tpu.memref_slice %arg4[%dma_start3A_188, %multiple_of3A_187] : memref<16x1000000xf32, #tpu.memory_space<hbm>> -> memref<16x128xf32, #tpu.memory_space<hbm>>
    %dma_start3A_190 = arith.constant 0 : i32
    %dma_start3A_191 = tpu.memref_slice %arg4[%dma_start3A_190, %multiple_of3A_187] : memref<16x1000000xf32, #tpu.memory_space<hbm>> -> memref<16x128xf32, #tpu.memory_space<hbm>>
    tpu.enqueue_dma source(%dma_start3A_191 : memref<16x128xf32, #tpu.memory_space<hbm>>) target(%arg17 : memref<16x128xf32, #tpu.memory_space<vmem>>) target_semaphore(%arg35 : memref<!tpu.dma_semaphore, #tpu.memory_space<semaphore_mem>>)
    %get3A_192 = arith.constant 7 : index
    %get3A_193 = tpu.vector_load %arg9[%get3A_192] {strides = array<i32>} : memref<528xi32, #tpu.memory_space<vmem>>, vector<16xi32>,
    %slice3A_194 = vector.extract_strided_slice %get3A_193 {offsets = [0], sizes = [1], strides = [1]} : vector<16xi32> to vector<1xi32>
    %squeeze3A_195 = vector.extract %slice3A_194[0] : i32 from vector<1xi32>
    %shift_right_logical3A_196 = arith.constant 7 : i32
    %shift_right_logical3A_197 = arith.shrui %squeeze3A_195, %shift_right_logical3A_196 : i32
    %mul3A_198 = arith.constant 128 : i32
    %mul3A_199 = arith.muli %shift_right_logical3A_197, %mul3A_198 : i32
    %multiple_of3A_200 = tpu.assume_multiple %mul3A_199, 128 : i32
    %dma_start3A_201 = arith.constant 0 : i32
    %dma_start3A_202 = tpu.memref_slice %arg5[%dma_start3A_201, %multiple_of3A_200] : memref<16x1000000xf32, #tpu.memory_space<hbm>> -> memref<16x128xf32, #tpu.memory_space<hbm>>
    %dma_start3A_203 = arith.constant 0 : i32
    %dma_start3A_204 = tpu.memref_slice %arg5[%dma_start3A_203, %multiple_of3A_200] : memref<16x1000000xf32, #tpu.memory_space<hbm>> -> memref<16x128xf32, #tpu.memory_space<hbm>>
    tpu.enqueue_dma source(%dma_start3A_204 : memref<16x128xf32, #tpu.memory_space<hbm>>) target(%arg25 : memref<16x128xf32, #tpu.memory_space<vmem>>) target_semaphore(%arg43 : memref<!tpu.dma_semaphore, #tpu.memory_space<semaphore_mem>>)
    %scan3A = arith.constant 0 : i32
    %scan3A_205 = arith.constant 0 : i32
    %scan3A_206 = arith.constant 63 : i32
    %scan3A_207 = arith.addi %scan3A_205, %scan3A_206 : i32
    %scan3A_208 = arith.constant 1 : i32
    scf.for %scan3A_530 = %scan3A_205 to %scan3A_207 step %scan3A_208  : i32 {
      %mul3A_531 = arith.constant 8 : i32
      %mul3A_532 = arith.muli %scan3A_530, %mul3A_531 : i32
      %add3A_533 = arith.constant 0 : i32
      %add3A_534 = arith.addi %mul3A_532, %add3A_533 : i32
      %dma_wait3A_535 = arith.constant 0 : i32
      %dma_wait3A_536 = arith.constant 0 : i32
      %dma_wait3A_537 = tpu.memref_slice %arg4[%dma_wait3A_535, %dma_wait3A_536] : memref<16x1000000xf32, #tpu.memory_space<hbm>> -> memref<16x128xf32, #tpu.memory_space<hbm>>
      %dma_wait3A_538 = arith.constant 0 : i32
      %dma_wait3A_539 = arith.constant 0 : i32
      %dma_wait3A_540 = tpu.memref_slice %arg4[%dma_wait3A_538, %dma_wait3A_539] : memref<16x1000000xf32, #tpu.memory_space<hbm>> -> memref<16x128xf32, #tpu.memory_space<hbm>>
      tpu.wait_dma2 semaphore(%arg28 : memref<!tpu.dma_semaphore, #tpu.memory_space<semaphore_mem>>) src(%dma_wait3A_540 : memref<16x128xf32, #tpu.memory_space<hbm>>) dst(%arg10 : memref<16x128xf32, #tpu.memory_space<vmem>>)
      %broadcast_in_dim3A_541 = vector.broadcast %add3A_534 : i32 to vector<16xi32>
      %gather3A_542 = tpu.vector_load_idx %arg8[%broadcast_in_dim3A_541] : memref<528xi32, #tpu.memory_space<vmem>>[vector<16xi32>], vector<16xi32>,
      %and3A_543 = arith.constant 127 : i32
      %and3A_544 = vector.broadcast %and3A_543 : i32 to vector<16xi32>
      %and3A_545 = arith.andi %gather3A_542, %and3A_544 : vector<16xi32>
      %gather3A_546 = tpu.vector_load_idx %arg10[%iota3A, %and3A_545] : memref<16x128xf32, #tpu.memory_space<vmem>>[vector<16xi32>, vector<16xi32>], vector<16xf32>,
      %shift_right_logical3A_547 = arith.constant 3 : i32
      %shift_right_logical3A_548 = arith.shrui %add3A_534, %shift_right_logical3A_547 : i32
      %broadcast_in_dim3A_549 = vector.broadcast %shift_right_logical3A_548 : i32 to vector<16xi32>
      %and3A_550 = arith.constant 7 : i32
      %and3A_551 = arith.andi %add3A_534, %and3A_550 : i32
      %mul3A_552 = arith.constant 16 : i32
      %mul3A_553 = arith.muli %and3A_551, %mul3A_552 : i32
      %add3A_554 = vector.broadcast %mul3A_553 : i32 to vector<16xi32>
      %add3A_555 = arith.addi %add3A_554, %iota3A : vector<16xi32>
      tpu.vector_store_idx %arg26[%broadcast_in_dim3A_549, %add3A_555], %gather3A_546 : memref<64x128xf32, #tpu.memory_space<vmem>>[vector<16xi32>, vector<16xi32>], vector<16xf32>,
      %add3A_556 = arith.constant 8 : i32
      %add3A_557 = arith.addi %add3A_534, %add3A_556 : i32
      %get3A_558 = arith.index_cast %add3A_557 : i32 to index
      %get3A_559 = tpu.vector_load %arg8[%get3A_558] {strides = array<i32>} : memref<528xi32, #tpu.memory_space<vmem>>, vector<16xi32>,
      %slice3A_560 = vector.extract_strided_slice %get3A_559 {offsets = [0], sizes = [1], strides = [1]} : vector<16xi32> to vector<1xi32>
      %squeeze3A_561 = vector.extract %slice3A_560[0] : i32 from vector<1xi32>
      %shift_right_logical3A_562 = arith.constant 7 : i32
      %shift_right_logical3A_563 = arith.shrui %squeeze3A_561, %shift_right_logical3A_562 : i32
      %mul3A_564 = arith.constant 128 : i32
      %mul3A_565 = arith.muli %shift_right_logical3A_563, %mul3A_564 : i32
      %multiple_of3A_566 = tpu.assume_multiple %mul3A_565, 128 : i32
      %dma_start3A_567 = arith.constant 0 : i32
      %dma_start3A_568 = tpu.memref_slice %arg4[%dma_start3A_567, %multiple_of3A_566] : memref<16x1000000xf32, #tpu.memory_space<hbm>> -> memref<16x128xf32, #tpu.memory_space<hbm>>
      %dma_start3A_569 = arith.constant 0 : i32
      %dma_start3A_570 = tpu.memref_slice %arg4[%dma_start3A_569, %multiple_of3A_566] : memref<16x1000000xf32, #tpu.memory_space<hbm>> -> memref<16x128xf32, #tpu.memory_space<hbm>>
      tpu.enqueue_dma source(%dma_start3A_570 : memref<16x128xf32, #tpu.memory_space<hbm>>) target(%arg10 : memref<16x128xf32, #tpu.memory_space<vmem>>) target_semaphore(%arg28 : memref<!tpu.dma_semaphore, #tpu.memory_space<semaphore_mem>>)
      %dma_wait3A_571 = arith.constant 0 : i32
      %dma_wait3A_572 = arith.constant 0 : i32
      %dma_wait3A_573 = tpu.memref_slice %arg5[%dma_wait3A_571, %dma_wait3A_572] : memref<16x1000000xf32, #tpu.memory_space<hbm>> -> memref<16x128xf32, #tpu.memory_space<hbm>>
      %dma_wait3A_574 = arith.constant 0 : i32
      %dma_wait3A_575 = arith.constant 0 : i32
      %dma_wait3A_576 = tpu.memref_slice %arg5[%dma_wait3A_574, %dma_wait3A_575] : memref<16x1000000xf32, #tpu.memory_space<hbm>> -> memref<16x128xf32, #tpu.memory_space<hbm>>
      tpu.wait_dma2 semaphore(%arg36 : memref<!tpu.dma_semaphore, #tpu.memory_space<semaphore_mem>>) src(%dma_wait3A_576 : memref<16x128xf32, #tpu.memory_space<hbm>>) dst(%arg18 : memref<16x128xf32, #tpu.memory_space<vmem>>)
      %broadcast_in_dim3A_577 = vector.broadcast %add3A_534 : i32 to vector<16xi32>
      %gather3A_578 = tpu.vector_load_idx %arg9[%broadcast_in_dim3A_577] : memref<528xi32, #tpu.memory_space<vmem>>[vector<16xi32>], vector<16xi32>,
      %and3A_579 = arith.constant 127 : i32
      %and3A_580 = vector.broadcast %and3A_579 : i32 to vector<16xi32>
      %and3A_581 = arith.andi %gather3A_578, %and3A_580 : vector<16xi32>
      %gather3A_582 = tpu.vector_load_idx %arg18[%iota3A, %and3A_581] : memref<16x128xf32, #tpu.memory_space<vmem>>[vector<16xi32>, vector<16xi32>], vector<16xf32>,
      %shift_right_logical3A_583 = arith.constant 3 : i32
      %shift_right_logical3A_584 = arith.shrui %add3A_534, %shift_right_logical3A_583 : i32
      %broadcast_in_dim3A_585 = vector.broadcast %shift_right_logical3A_584 : i32 to vector<16xi32>
      %and3A_586 = arith.constant 7 : i32
      %and3A_587 = arith.andi %add3A_534, %and3A_586 : i32
      %mul3A_588 = arith.constant 16 : i32
      %mul3A_589 = arith.muli %and3A_587, %mul3A_588 : i32
      %add3A_590 = vector.broadcast %mul3A_589 : i32 to vector<16xi32>
      %add3A_591 = arith.addi %add3A_590, %iota3A : vector<16xi32>
      tpu.vector_store_idx %arg27[%broadcast_in_dim3A_585, %add3A_591], %gather3A_582 : memref<64x128xf32, #tpu.memory_space<vmem>>[vector<16xi32>, vector<16xi32>], vector<16xf32>,
      %add3A_592 = arith.constant 8 : i32
      %add3A_593 = arith.addi %add3A_534, %add3A_592 : i32
      %get3A_594 = arith.index_cast %add3A_593 : i32 to index
      %get3A_595 = tpu.vector_load %arg9[%get3A_594] {strides = array<i32>} : memref<528xi32, #tpu.memory_space<vmem>>, vector<16xi32>,
      %slice3A_596 = vector.extract_strided_slice %get3A_595 {offsets = [0], sizes = [1], strides = [1]} : vector<16xi32> to vector<1xi32>
      %squeeze3A_597 = vector.extract %slice3A_596[0] : i32 from vector<1xi32>
      %shift_right_logical3A_598 = arith.constant 7 : i32
      %shift_right_logical3A_599 = arith.shrui %squeeze3A_597, %shift_right_logical3A_598 : i32
      %mul3A_600 = arith.constant 128 : i32
      %mul3A_601 = arith.muli %shift_right_logical3A_599, %mul3A_600 : i32
      %multiple_of3A_602 = tpu.assume_multiple %mul3A_601, 128 : i32
      %dma_start3A_603 = arith.constant 0 : i32
      %dma_start3A_604 = tpu.memref_slice %arg5[%dma_start3A_603, %multiple_of3A_602] : memref<16x1000000xf32, #tpu.memory_space<hbm>> -> memref<16x128xf32, #tpu.memory_space<hbm>>
      %dma_start3A_605 = arith.constant 0 : i32
      %dma_start3A_606 = tpu.memref_slice %arg5[%dma_start3A_605, %multiple_of3A_602] : memref<16x1000000xf32, #tpu.memory_space<hbm>> -> memref<16x128xf32, #tpu.memory_space<hbm>>
      tpu.enqueue_dma source(%dma_start3A_606 : memref<16x128xf32, #tpu.memory_space<hbm>>) target(%arg18 : memref<16x128xf32, #tpu.memory_space<vmem>>) target_semaphore(%arg36 : memref<!tpu.dma_semaphore, #tpu.memory_space<semaphore_mem>>)
      %mul3A_607 = arith.constant 8 : i32
      %mul3A_608 = arith.muli %scan3A_530, %mul3A_607 : i32
      %add3A_609 = arith.constant 1 : i32
      %add3A_610 = arith.addi %mul3A_608, %add3A_609 : i32
      %dma_wait3A_611 = arith.constant 0 : i32
      %dma_wait3A_612 = arith.constant 0 : i32
      %dma_wait3A_613 = tpu.memref_slice %arg4[%dma_wait3A_611, %dma_wait3A_612] : memref<16x1000000xf32, #tpu.memory_space<hbm>> -> memref<16x128xf32, #tpu.memory_space<hbm>>
      %dma_wait3A_614 = arith.constant 0 : i32
      %dma_wait3A_615 = arith.constant 0 : i32
      %dma_wait3A_616 = tpu.memref_slice %arg4[%dma_wait3A_614, %dma_wait3A_615] : memref<16x1000000xf32, #tpu.memory_space<hbm>> -> memref<16x128xf32, #tpu.memory_space<hbm>>
      tpu.wait_dma2 semaphore(%arg29 : memref<!tpu.dma_semaphore, #tpu.memory_space<semaphore_mem>>) src(%dma_wait3A_616 : memref<16x128xf32, #tpu.memory_space<hbm>>) dst(%arg11 : memref<16x128xf32, #tpu.memory_space<vmem>>)
      %broadcast_in_dim3A_617 = vector.broadcast %add3A_610 : i32 to vector<16xi32>
      %gather3A_618 = tpu.vector_load_idx %arg8[%broadcast_in_dim3A_617] : memref<528xi32, #tpu.memory_space<vmem>>[vector<16xi32>], vector<16xi32>,
      %and3A_619 = arith.constant 127 : i32
      %and3A_620 = vector.broadcast %and3A_619 : i32 to vector<16xi32>
      %and3A_621 = arith.andi %gather3A_618, %and3A_620 : vector<16xi32>
      %gather3A_622 = tpu.vector_load_idx %arg11[%iota3A, %and3A_621] : memref<16x128xf32, #tpu.memory_space<vmem>>[vector<16xi32>, vector<16xi32>], vector<16xf32>,
      %shift_right_logical3A_623 = arith.constant 3 : i32
      %shift_right_logical3A_624 = arith.shrui %add3A_610, %shift_right_logical3A_623 : i32
      %broadcast_in_dim3A_625 = vector.broadcast %shift_right_logical3A_624 : i32 to vector<16xi32>
      %and3A_626 = arith.constant 7 : i32
      %and3A_627 = arith.andi %add3A_610, %and3A_626 : i32
      %mul3A_628 = arith.constant 16 : i32
      %mul3A_629 = arith.muli %and3A_627, %mul3A_628 : i32
      %add3A_630 = vector.broadcast %mul3A_629 : i32 to vector<16xi32>
      %add3A_631 = arith.addi %add3A_630, %iota3A : vector<16xi32>
      tpu.vector_store_idx %arg26[%broadcast_in_dim3A_625, %add3A_631], %gather3A_622 : memref<64x128xf32, #tpu.memory_space<vmem>>[vector<16xi32>, vector<16xi32>], vector<16xf32>,
      %add3A_632 = arith.constant 8 : i32
      %add3A_633 = arith.addi %add3A_610, %add3A_632 : i32
      %get3A_634 = arith.index_cast %add3A_633 : i32 to index
      %get3A_635 = tpu.vector_load %arg8[%get3A_634] {strides = array<i32>} : memref<528xi32, #tpu.memory_space<vmem>>, vector<16xi32>,
      %slice3A_636 = vector.extract_strided_slice %get3A_635 {offsets = [0], sizes = [1], strides = [1]} : vector<16xi32> to vector<1xi32>
      %squeeze3A_637 = vector.extract %slice3A_636[0] : i32 from vector<1xi32>
      %shift_right_logical3A_638 = arith.constant 7 : i32
      %shift_right_logical3A_639 = arith.shrui %squeeze3A_637, %shift_right_logical3A_638 : i32
      %mul3A_640 = arith.constant 128 : i32
      %mul3A_641 = arith.muli %shift_right_logical3A_639, %mul3A_640 : i32
      %multiple_of3A_642 = tpu.assume_multiple %mul3A_641, 128 : i32
      %dma_start3A_643 = arith.constant 0 : i32
      %dma_start3A_644 = tpu.memref_slice %arg4[%dma_start3A_643, %multiple_of3A_642] : memref<16x1000000xf32, #tpu.memory_space<hbm>> -> memref<16x128xf32, #tpu.memory_space<hbm>>
      %dma_start3A_645 = arith.constant 0 : i32
      %dma_start3A_646 = tpu.memref_slice %arg4[%dma_start3A_645, %multiple_of3A_642] : memref<16x1000000xf32, #tpu.memory_space<hbm>> -> memref<16x128xf32, #tpu.memory_space<hbm>>
      tpu.enqueue_dma source(%dma_start3A_646 : memref<16x128xf32, #tpu.memory_space<hbm>>) target(%arg11 : memref<16x128xf32, #tpu.memory_space<vmem>>) target_semaphore(%arg29 : memref<!tpu.dma_semaphore, #tpu.memory_space<semaphore_mem>>)
      %dma_wait3A_647 = arith.constant 0 : i32
      %dma_wait3A_648 = arith.constant 0 : i32
      %dma_wait3A_649 = tpu.memref_slice %arg5[%dma_wait3A_647, %dma_wait3A_648] : memref<16x1000000xf32, #tpu.memory_space<hbm>> -> memref<16x128xf32, #tpu.memory_space<hbm>>
      %dma_wait3A_650 = arith.constant 0 : i32
      %dma_wait3A_651 = arith.constant 0 : i32
      %dma_wait3A_652 = tpu.memref_slice %arg5[%dma_wait3A_650, %dma_wait3A_651] : memref<16x1000000xf32, #tpu.memory_space<hbm>> -> memref<16x128xf32, #tpu.memory_space<hbm>>
      tpu.wait_dma2 semaphore(%arg37 : memref<!tpu.dma_semaphore, #tpu.memory_space<semaphore_mem>>) src(%dma_wait3A_652 : memref<16x128xf32, #tpu.memory_space<hbm>>) dst(%arg19 : memref<16x128xf32, #tpu.memory_space<vmem>>)
      %broadcast_in_dim3A_653 = vector.broadcast %add3A_610 : i32 to vector<16xi32>
      %gather3A_654 = tpu.vector_load_idx %arg9[%broadcast_in_dim3A_653] : memref<528xi32, #tpu.memory_space<vmem>>[vector<16xi32>], vector<16xi32>,
      %and3A_655 = arith.constant 127 : i32
      %and3A_656 = vector.broadcast %and3A_655 : i32 to vector<16xi32>
      %and3A_657 = arith.andi %gather3A_654, %and3A_656 : vector<16xi32>
      %gather3A_658 = tpu.vector_load_idx %arg19[%iota3A, %and3A_657] : memref<16x128xf32, #tpu.memory_space<vmem>>[vector<16xi32>, vector<16xi32>], vector<16xf32>,
      %shift_right_logical3A_659 = arith.constant 3 : i32
      %shift_right_logical3A_660 = arith.shrui %add3A_610, %shift_right_logical3A_659 : i32
      %broadcast_in_dim3A_661 = vector.broadcast %shift_right_logical3A_660 : i32 to vector<16xi32>
      %and3A_662 = arith.constant 7 : i32
      %and3A_663 = arith.andi %add3A_610, %and3A_662 : i32
      %mul3A_664 = arith.constant 16 : i32
      %mul3A_665 = arith.muli %and3A_663, %mul3A_664 : i32
      %add3A_666 = vector.broadcast %mul3A_665 : i32 to vector<16xi32>
      %add3A_667 = arith.addi %add3A_666, %iota3A : vector<16xi32>
      tpu.vector_store_idx %arg27[%broadcast_in_dim3A_661, %add3A_667], %gather3A_658 : memref<64x128xf32, #tpu.memory_space<vmem>>[vector<16xi32>, vector<16xi32>], vector<16xf32>,
      %add3A_668 = arith.constant 8 : i32
      %add3A_669 = arith.addi %add3A_610, %add3A_668 : i32
      %get3A_670 = arith.index_cast %add3A_669 : i32 to index
      %get3A_671 = tpu.vector_load %arg9[%get3A_670] {strides = array<i32>} : memref<528xi32, #tpu.memory_space<vmem>>, vector<16xi32>,
      %slice3A_672 = vector.extract_strided_slice %get3A_671 {offsets = [0], sizes = [1], strides = [1]} : vector<16xi32> to vector<1xi32>
      %squeeze3A_673 = vector.extract %slice3A_672[0] : i32 from vector<1xi32>
      %shift_right_logical3A_674 = arith.constant 7 : i32
      %shift_right_logical3A_675 = arith.shrui %squeeze3A_673, %shift_right_logical3A_674 : i32
      %mul3A_676 = arith.constant 128 : i32
      %mul3A_677 = arith.muli %shift_right_logical3A_675, %mul3A_676 : i32
      %multiple_of3A_678 = tpu.assume_multiple %mul3A_677, 128 : i32
      %dma_start3A_679 = arith.constant 0 : i32
      %dma_start3A_680 = tpu.memref_slice %arg5[%dma_start3A_679, %multiple_of3A_678] : memref<16x1000000xf32, #tpu.memory_space<hbm>> -> memref<16x128xf32, #tpu.memory_space<hbm>>
      %dma_start3A_681 = arith.constant 0 : i32
      %dma_start3A_682 = tpu.memref_slice %arg5[%dma_start3A_681, %multiple_of3A_678] : memref<16x1000000xf32, #tpu.memory_space<hbm>> -> memref<16x128xf32, #tpu.memory_space<hbm>>
      tpu.enqueue_dma source(%dma_start3A_682 : memref<16x128xf32, #tpu.memory_space<hbm>>) target(%arg19 : memref<16x128xf32, #tpu.memory_space<vmem>>) target_semaphore(%arg37 : memref<!tpu.dma_semaphore, #tpu.memory_space<semaphore_mem>>)
      %mul3A_683 = arith.constant 8 : i32
      %mul3A_684 = arith.muli %scan3A_530, %mul3A_683 : i32
      %add3A_685 = arith.constant 2 : i32
      %add3A_686 = arith.addi %mul3A_684, %add3A_685 : i32
      %dma_wait3A_687 = arith.constant 0 : i32
      %dma_wait3A_688 = arith.constant 0 : i32
      %dma_wait3A_689 = tpu.memref_slice %arg4[%dma_wait3A_687, %dma_wait3A_688] : memref<16x1000000xf32, #tpu.memory_space<hbm>> -> memref<16x128xf32, #tpu.memory_space<hbm>>
      %dma_wait3A_690 = arith.constant 0 : i32
      %dma_wait3A_691 = arith.constant 0 : i32
      %dma_wait3A_692 = tpu.memref_slice %arg4[%dma_wait3A_690, %dma_wait3A_691] : memref<16x1000000xf32, #tpu.memory_space<hbm>> -> memref<16x128xf32, #tpu.memory_space<hbm>>
      tpu.wait_dma2 semaphore(%arg30 : memref<!tpu.dma_semaphore, #tpu.memory_space<semaphore_mem>>) src(%dma_wait3A_692 : memref<16x128xf32, #tpu.memory_space<hbm>>) dst(%arg12 : memref<16x128xf32, #tpu.memory_space<vmem>>)
      %broadcast_in_dim3A_693 = vector.broadcast %add3A_686 : i32 to vector<16xi32>
      %gather3A_694 = tpu.vector_load_idx %arg8[%broadcast_in_dim3A_693] : memref<528xi32, #tpu.memory_space<vmem>>[vector<16xi32>], vector<16xi32>,
      %and3A_695 = arith.constant 127 : i32
      %and3A_696 = vector.broadcast %and3A_695 : i32 to vector<16xi32>
      %and3A_697 = arith.andi %gather3A_694, %and3A_696 : vector<16xi32>
      %gather3A_698 = tpu.vector_load_idx %arg12[%iota3A, %and3A_697] : memref<16x128xf32, #tpu.memory_space<vmem>>[vector<16xi32>, vector<16xi32>], vector<16xf32>,
      %shift_right_logical3A_699 = arith.constant 3 : i32
      %shift_right_logical3A_700 = arith.shrui %add3A_686, %shift_right_logical3A_699 : i32
      %broadcast_in_dim3A_701 = vector.broadcast %shift_right_logical3A_700 : i32 to vector<16xi32>
      %and3A_702 = arith.constant 7 : i32
      %and3A_703 = arith.andi %add3A_686, %and3A_702 : i32
      %mul3A_704 = arith.constant 16 : i32
      %mul3A_705 = arith.muli %and3A_703, %mul3A_704 : i32
      %add3A_706 = vector.broadcast %mul3A_705 : i32 to vector<16xi32>
      %add3A_707 = arith.addi %add3A_706, %iota3A : vector<16xi32>
      tpu.vector_store_idx %arg26[%broadcast_in_dim3A_701, %add3A_707], %gather3A_698 : memref<64x128xf32, #tpu.memory_space<vmem>>[vector<16xi32>, vector<16xi32>], vector<16xf32>,
      %add3A_708 = arith.constant 8 : i32
      %add3A_709 = arith.addi %add3A_686, %add3A_708 : i32
      %get3A_710 = arith.index_cast %add3A_709 : i32 to index
      %get3A_711 = tpu.vector_load %arg8[%get3A_710] {strides = array<i32>} : memref<528xi32, #tpu.memory_space<vmem>>, vector<16xi32>,
      %slice3A_712 = vector.extract_strided_slice %get3A_711 {offsets = [0], sizes = [1], strides = [1]} : vector<16xi32> to vector<1xi32>
      %squeeze3A_713 = vector.extract %slice3A_712[0] : i32 from vector<1xi32>
      %shift_right_logical3A_714 = arith.constant 7 : i32
      %shift_right_logical3A_715 = arith.shrui %squeeze3A_713, %shift_right_logical3A_714 : i32
      %mul3A_716 = arith.constant 128 : i32
      %mul3A_717 = arith.muli %shift_right_logical3A_715, %mul3A_716 : i32
      %multiple_of3A_718 = tpu.assume_multiple %mul3A_717, 128 : i32
      %dma_start3A_719 = arith.constant 0 : i32
      %dma_start3A_720 = tpu.memref_slice %arg4[%dma_start3A_719, %multiple_of3A_718] : memref<16x1000000xf32, #tpu.memory_space<hbm>> -> memref<16x128xf32, #tpu.memory_space<hbm>>
      %dma_start3A_721 = arith.constant 0 : i32
      %dma_start3A_722 = tpu.memref_slice %arg4[%dma_start3A_721, %multiple_of3A_718] : memref<16x1000000xf32, #tpu.memory_space<hbm>> -> memref<16x128xf32, #tpu.memory_space<hbm>>
      tpu.enqueue_dma source(%dma_start3A_722 : memref<16x128xf32, #tpu.memory_space<hbm>>) target(%arg12 : memref<16x128xf32, #tpu.memory_space<vmem>>) target_semaphore(%arg30 : memref<!tpu.dma_semaphore, #tpu.memory_space<semaphore_mem>>)
      %dma_wait3A_723 = arith.constant 0 : i32
      %dma_wait3A_724 = arith.constant 0 : i32
      %dma_wait3A_725 = tpu.memref_slice %arg5[%dma_wait3A_723, %dma_wait3A_724] : memref<16x1000000xf32, #tpu.memory_space<hbm>> -> memref<16x128xf32, #tpu.memory_space<hbm>>
      %dma_wait3A_726 = arith.constant 0 : i32
      %dma_wait3A_727 = arith.constant 0 : i32
      %dma_wait3A_728 = tpu.memref_slice %arg5[%dma_wait3A_726, %dma_wait3A_727] : memref<16x1000000xf32, #tpu.memory_space<hbm>> -> memref<16x128xf32, #tpu.memory_space<hbm>>
      tpu.wait_dma2 semaphore(%arg38 : memref<!tpu.dma_semaphore, #tpu.memory_space<semaphore_mem>>) src(%dma_wait3A_728 : memref<16x128xf32, #tpu.memory_space<hbm>>) dst(%arg20 : memref<16x128xf32, #tpu.memory_space<vmem>>)
      %broadcast_in_dim3A_729 = vector.broadcast %add3A_686 : i32 to vector<16xi32>
      %gather3A_730 = tpu.vector_load_idx %arg9[%broadcast_in_dim3A_729] : memref<528xi32, #tpu.memory_space<vmem>>[vector<16xi32>], vector<16xi32>,
      %and3A_731 = arith.constant 127 : i32
      %and3A_732 = vector.broadcast %and3A_731 : i32 to vector<16xi32>
      %and3A_733 = arith.andi %gather3A_730, %and3A_732 : vector<16xi32>
      %gather3A_734 = tpu.vector_load_idx %arg20[%iota3A, %and3A_733] : memref<16x128xf32, #tpu.memory_space<vmem>>[vector<16xi32>, vector<16xi32>], vector<16xf32>,
      %shift_right_logical3A_735 = arith.constant 3 : i32
      %shift_right_logical3A_736 = arith.shrui %add3A_686, %shift_right_logical3A_735 : i32
      %broadcast_in_dim3A_737 = vector.broadcast %shift_right_logical3A_736 : i32 to vector<16xi32>
      %and3A_738 = arith.constant 7 : i32
      %and3A_739 = arith.andi %add3A_686, %and3A_738 : i32
      %mul3A_740 = arith.constant 16 : i32
      %mul3A_741 = arith.muli %and3A_739, %mul3A_740 : i32
      %add3A_742 = vector.broadcast %mul3A_741 : i32 to vector<16xi32>
      %add3A_743 = arith.addi %add3A_742, %iota3A : vector<16xi32>
      tpu.vector_store_idx %arg27[%broadcast_in_dim3A_737, %add3A_743], %gather3A_734 : memref<64x128xf32, #tpu.memory_space<vmem>>[vector<16xi32>, vector<16xi32>], vector<16xf32>,
      %add3A_744 = arith.constant 8 : i32
      %add3A_745 = arith.addi %add3A_686, %add3A_744 : i32
      %get3A_746 = arith.index_cast %add3A_745 : i32 to index
      %get3A_747 = tpu.vector_load %arg9[%get3A_746] {strides = array<i32>} : memref<528xi32, #tpu.memory_space<vmem>>, vector<16xi32>,
      %slice3A_748 = vector.extract_strided_slice %get3A_747 {offsets = [0], sizes = [1], strides = [1]} : vector<16xi32> to vector<1xi32>
      %squeeze3A_749 = vector.extract %slice3A_748[0] : i32 from vector<1xi32>
      %shift_right_logical3A_750 = arith.constant 7 : i32
      %shift_right_logical3A_751 = arith.shrui %squeeze3A_749, %shift_right_logical3A_750 : i32
      %mul3A_752 = arith.constant 128 : i32
      %mul3A_753 = arith.muli %shift_right_logical3A_751, %mul3A_752 : i32
      %multiple_of3A_754 = tpu.assume_multiple %mul3A_753, 128 : i32
      %dma_start3A_755 = arith.constant 0 : i32
      %dma_start3A_756 = tpu.memref_slice %arg5[%dma_start3A_755, %multiple_of3A_754] : memref<16x1000000xf32, #tpu.memory_space<hbm>> -> memref<16x128xf32, #tpu.memory_space<hbm>>
      %dma_start3A_757 = arith.constant 0 : i32
      %dma_start3A_758 = tpu.memref_slice %arg5[%dma_start3A_757, %multiple_of3A_754] : memref<16x1000000xf32, #tpu.memory_space<hbm>> -> memref<16x128xf32, #tpu.memory_space<hbm>>
      tpu.enqueue_dma source(%dma_start3A_758 : memref<16x128xf32, #tpu.memory_space<hbm>>) target(%arg20 : memref<16x128xf32, #tpu.memory_space<vmem>>) target_semaphore(%arg38 : memref<!tpu.dma_semaphore, #tpu.memory_space<semaphore_mem>>)
      %mul3A_759 = arith.constant 8 : i32
      %mul3A_760 = arith.muli %scan3A_530, %mul3A_759 : i32
      %add3A_761 = arith.constant 3 : i32
      %add3A_762 = arith.addi %mul3A_760, %add3A_761 : i32
      %dma_wait3A_763 = arith.constant 0 : i32
      %dma_wait3A_764 = arith.constant 0 : i32
      %dma_wait3A_765 = tpu.memref_slice %arg4[%dma_wait3A_763, %dma_wait3A_764] : memref<16x1000000xf32, #tpu.memory_space<hbm>> -> memref<16x128xf32, #tpu.memory_space<hbm>>
      %dma_wait3A_766 = arith.constant 0 : i32
      %dma_wait3A_767 = arith.constant 0 : i32
      %dma_wait3A_768 = tpu.memref_slice %arg4[%dma_wait3A_766, %dma_wait3A_767] : memref<16x1000000xf32, #tpu.memory_space<hbm>> -> memref<16x128xf32, #tpu.memory_space<hbm>>
      tpu.wait_dma2 semaphore(%arg31 : memref<!tpu.dma_semaphore, #tpu.memory_space<semaphore_mem>>) src(%dma_wait3A_768 : memref<16x128xf32, #tpu.memory_space<hbm>>) dst(%arg13 : memref<16x128xf32, #tpu.memory_space<vmem>>)
      %broadcast_in_dim3A_769 = vector.broadcast %add3A_762 : i32 to vector<16xi32>
      %gather3A_770 = tpu.vector_load_idx %arg8[%broadcast_in_dim3A_769] : memref<528xi32, #tpu.memory_space<vmem>>[vector<16xi32>], vector<16xi32>,
      %and3A_771 = arith.constant 127 : i32
      %and3A_772 = vector.broadcast %and3A_771 : i32 to vector<16xi32>
      %and3A_773 = arith.andi %gather3A_770, %and3A_772 : vector<16xi32>
      %gather3A_774 = tpu.vector_load_idx %arg13[%iota3A, %and3A_773] : memref<16x128xf32, #tpu.memory_space<vmem>>[vector<16xi32>, vector<16xi32>], vector<16xf32>,
      %shift_right_logical3A_775 = arith.constant 3 : i32
      %shift_right_logical3A_776 = arith.shrui %add3A_762, %shift_right_logical3A_775 : i32
      %broadcast_in_dim3A_777 = vector.broadcast %shift_right_logical3A_776 : i32 to vector<16xi32>
      %and3A_778 = arith.constant 7 : i32
      %and3A_779 = arith.andi %add3A_762, %and3A_778 : i32
      %mul3A_780 = arith.constant 16 : i32
      %mul3A_781 = arith.muli %and3A_779, %mul3A_780 : i32
      %add3A_782 = vector.broadcast %mul3A_781 : i32 to vector<16xi32>
      %add3A_783 = arith.addi %add3A_782, %iota3A : vector<16xi32>
      tpu.vector_store_idx %arg26[%broadcast_in_dim3A_777, %add3A_783], %gather3A_774 : memref<64x128xf32, #tpu.memory_space<vmem>>[vector<16xi32>, vector<16xi32>], vector<16xf32>,
      %add3A_784 = arith.constant 8 : i32
      %add3A_785 = arith.addi %add3A_762, %add3A_784 : i32
      %get3A_786 = arith.index_cast %add3A_785 : i32 to index
      %get3A_787 = tpu.vector_load %arg8[%get3A_786] {strides = array<i32>} : memref<528xi32, #tpu.memory_space<vmem>>, vector<16xi32>,
      %slice3A_788 = vector.extract_strided_slice %get3A_787 {offsets = [0], sizes = [1], strides = [1]} : vector<16xi32> to vector<1xi32>
      %squeeze3A_789 = vector.extract %slice3A_788[0] : i32 from vector<1xi32>
      %shift_right_logical3A_790 = arith.constant 7 : i32
      %shift_right_logical3A_791 = arith.shrui %squeeze3A_789, %shift_right_logical3A_790 : i32
      %mul3A_792 = arith.constant 128 : i32
      %mul3A_793 = arith.muli %shift_right_logical3A_791, %mul3A_792 : i32
      %multiple_of3A_794 = tpu.assume_multiple %mul3A_793, 128 : i32
      %dma_start3A_795 = arith.constant 0 : i32
      %dma_start3A_796 = tpu.memref_slice %arg4[%dma_start3A_795, %multiple_of3A_794] : memref<16x1000000xf32, #tpu.memory_space<hbm>> -> memref<16x128xf32, #tpu.memory_space<hbm>>
      %dma_start3A_797 = arith.constant 0 : i32
      %dma_start3A_798 = tpu.memref_slice %arg4[%dma_start3A_797, %multiple_of3A_794] : memref<16x1000000xf32, #tpu.memory_space<hbm>> -> memref<16x128xf32, #tpu.memory_space<hbm>>
      tpu.enqueue_dma source(%dma_start3A_798 : memref<16x128xf32, #tpu.memory_space<hbm>>) target(%arg13 : memref<16x128xf32, #tpu.memory_space<vmem>>) target_semaphore(%arg31 : memref<!tpu.dma_semaphore, #tpu.memory_space<semaphore_mem>>)
      %dma_wait3A_799 = arith.constant 0 : i32
      %dma_wait3A_800 = arith.constant 0 : i32
      %dma_wait3A_801 = tpu.memref_slice %arg5[%dma_wait3A_799, %dma_wait3A_800] : memref<16x1000000xf32, #tpu.memory_space<hbm>> -> memref<16x128xf32, #tpu.memory_space<hbm>>
      %dma_wait3A_802 = arith.constant 0 : i32
      %dma_wait3A_803 = arith.constant 0 : i32
      %dma_wait3A_804 = tpu.memref_slice %arg5[%dma_wait3A_802, %dma_wait3A_803] : memref<16x1000000xf32, #tpu.memory_space<hbm>> -> memref<16x128xf32, #tpu.memory_space<hbm>>
      tpu.wait_dma2 semaphore(%arg39 : memref<!tpu.dma_semaphore, #tpu.memory_space<semaphore_mem>>) src(%dma_wait3A_804 : memref<16x128xf32, #tpu.memory_space<hbm>>) dst(%arg21 : memref<16x128xf32, #tpu.memory_space<vmem>>)
      %broadcast_in_dim3A_805 = vector.broadcast %add3A_762 : i32 to vector<16xi32>
      %gather3A_806 = tpu.vector_load_idx %arg9[%broadcast_in_dim3A_805] : memref<528xi32, #tpu.memory_space<vmem>>[vector<16xi32>], vector<16xi32>,
      %and3A_807 = arith.constant 127 : i32
      %and3A_808 = vector.broadcast %and3A_807 : i32 to vector<16xi32>
      %and3A_809 = arith.andi %gather3A_806, %and3A_808 : vector<16xi32>
      %gather3A_810 = tpu.vector_load_idx %arg21[%iota3A, %and3A_809] : memref<16x128xf32, #tpu.memory_space<vmem>>[vector<16xi32>, vector<16xi32>], vector<16xf32>,
      %shift_right_logical3A_811 = arith.constant 3 : i32
      %shift_right_logical3A_812 = arith.shrui %add3A_762, %shift_right_logical3A_811 : i32
      %broadcast_in_dim3A_813 = vector.broadcast %shift_right_logical3A_812 : i32 to vector<16xi32>
      %and3A_814 = arith.constant 7 : i32
      %and3A_815 = arith.andi %add3A_762, %and3A_814 : i32
      %mul3A_816 = arith.constant 16 : i32
      %mul3A_817 = arith.muli %and3A_815, %mul3A_816 : i32
      %add3A_818 = vector.broadcast %mul3A_817 : i32 to vector<16xi32>
      %add3A_819 = arith.addi %add3A_818, %iota3A : vector<16xi32>
      tpu.vector_store_idx %arg27[%broadcast_in_dim3A_813, %add3A_819], %gather3A_810 : memref<64x128xf32, #tpu.memory_space<vmem>>[vector<16xi32>, vector<16xi32>], vector<16xf32>,
      %add3A_820 = arith.constant 8 : i32
      %add3A_821 = arith.addi %add3A_762, %add3A_820 : i32
      %get3A_822 = arith.index_cast %add3A_821 : i32 to index
      %get3A_823 = tpu.vector_load %arg9[%get3A_822] {strides = array<i32>} : memref<528xi32, #tpu.memory_space<vmem>>, vector<16xi32>,
      %slice3A_824 = vector.extract_strided_slice %get3A_823 {offsets = [0], sizes = [1], strides = [1]} : vector<16xi32> to vector<1xi32>
      %squeeze3A_825 = vector.extract %slice3A_824[0] : i32 from vector<1xi32>
      %shift_right_logical3A_826 = arith.constant 7 : i32
      %shift_right_logical3A_827 = arith.shrui %squeeze3A_825, %shift_right_logical3A_826 : i32
      %mul3A_828 = arith.constant 128 : i32
      %mul3A_829 = arith.muli %shift_right_logical3A_827, %mul3A_828 : i32
      %multiple_of3A_830 = tpu.assume_multiple %mul3A_829, 128 : i32
      %dma_start3A_831 = arith.constant 0 : i32
      %dma_start3A_832 = tpu.memref_slice %arg5[%dma_start3A_831, %multiple_of3A_830] : memref<16x1000000xf32, #tpu.memory_space<hbm>> -> memref<16x128xf32, #tpu.memory_space<hbm>>
      %dma_start3A_833 = arith.constant 0 : i32
      %dma_start3A_834 = tpu.memref_slice %arg5[%dma_start3A_833, %multiple_of3A_830] : memref<16x1000000xf32, #tpu.memory_space<hbm>> -> memref<16x128xf32, #tpu.memory_space<hbm>>
      tpu.enqueue_dma source(%dma_start3A_834 : memref<16x128xf32, #tpu.memory_space<hbm>>) target(%arg21 : memref<16x128xf32, #tpu.memory_space<vmem>>) target_semaphore(%arg39 : memref<!tpu.dma_semaphore, #tpu.memory_space<semaphore_mem>>)
      %mul3A_835 = arith.constant 8 : i32
      %mul3A_836 = arith.muli %scan3A_530, %mul3A_835 : i32
      %add3A_837 = arith.constant 4 : i32
      %add3A_838 = arith.addi %mul3A_836, %add3A_837 : i32
      %dma_wait3A_839 = arith.constant 0 : i32
      %dma_wait3A_840 = arith.constant 0 : i32
      %dma_wait3A_841 = tpu.memref_slice %arg4[%dma_wait3A_839, %dma_wait3A_840] : memref<16x1000000xf32, #tpu.memory_space<hbm>> -> memref<16x128xf32, #tpu.memory_space<hbm>>
      %dma_wait3A_842 = arith.constant 0 : i32
      %dma_wait3A_843 = arith.constant 0 : i32
      %dma_wait3A_844 = tpu.memref_slice %arg4[%dma_wait3A_842, %dma_wait3A_843] : memref<16x1000000xf32, #tpu.memory_space<hbm>> -> memref<16x128xf32, #tpu.memory_space<hbm>>
      tpu.wait_dma2 semaphore(%arg32 : memref<!tpu.dma_semaphore, #tpu.memory_space<semaphore_mem>>) src(%dma_wait3A_844 : memref<16x128xf32, #tpu.memory_space<hbm>>) dst(%arg14 : memref<16x128xf32, #tpu.memory_space<vmem>>)
      %broadcast_in_dim3A_845 = vector.broadcast %add3A_838 : i32 to vector<16xi32>
      %gather3A_846 = tpu.vector_load_idx %arg8[%broadcast_in_dim3A_845] : memref<528xi32, #tpu.memory_space<vmem>>[vector<16xi32>], vector<16xi32>,
      %and3A_847 = arith.constant 127 : i32
      %and3A_848 = vector.broadcast %and3A_847 : i32 to vector<16xi32>
      %and3A_849 = arith.andi %gather3A_846, %and3A_848 : vector<16xi32>
      %gather3A_850 = tpu.vector_load_idx %arg14[%iota3A, %and3A_849] : memref<16x128xf32, #tpu.memory_space<vmem>>[vector<16xi32>, vector<16xi32>], vector<16xf32>,
      %shift_right_logical3A_851 = arith.constant 3 : i32
      %shift_right_logical3A_852 = arith.shrui %add3A_838, %shift_right_logical3A_851 : i32
      %broadcast_in_dim3A_853 = vector.broadcast %shift_right_logical3A_852 : i32 to vector<16xi32>
      %and3A_854 = arith.constant 7 : i32
      %and3A_855 = arith.andi %add3A_838, %and3A_854 : i32
      %mul3A_856 = arith.constant 16 : i32
      %mul3A_857 = arith.muli %and3A_855, %mul3A_856 : i32
      %add3A_858 = vector.broadcast %mul3A_857 : i32 to vector<16xi32>
      %add3A_859 = arith.addi %add3A_858, %iota3A : vector<16xi32>
      tpu.vector_store_idx %arg26[%broadcast_in_dim3A_853, %add3A_859], %gather3A_850 : memref<64x128xf32, #tpu.memory_space<vmem>>[vector<16xi32>, vector<16xi32>], vector<16xf32>,
      %add3A_860 = arith.constant 8 : i32
      %add3A_861 = arith.addi %add3A_838, %add3A_860 : i32
      %get3A_862 = arith.index_cast %add3A_861 : i32 to index
      %get3A_863 = tpu.vector_load %arg8[%get3A_862] {strides = array<i32>} : memref<528xi32, #tpu.memory_space<vmem>>, vector<16xi32>,
      %slice3A_864 = vector.extract_strided_slice %get3A_863 {offsets = [0], sizes = [1], strides = [1]} : vector<16xi32> to vector<1xi32>
      %squeeze3A_865 = vector.extract %slice3A_864[0] : i32 from vector<1xi32>
      %shift_right_logical3A_866 = arith.constant 7 : i32
      %shift_right_logical3A_867 = arith.shrui %squeeze3A_865, %shift_right_logical3A_866 : i32
      %mul3A_868 = arith.constant 128 : i32
      %mul3A_869 = arith.muli %shift_right_logical3A_867, %mul3A_868 : i32
      %multiple_of3A_870 = tpu.assume_multiple %mul3A_869, 128 : i32
      %dma_start3A_871 = arith.constant 0 : i32
      %dma_start3A_872 = tpu.memref_slice %arg4[%dma_start3A_871, %multiple_of3A_870] : memref<16x1000000xf32, #tpu.memory_space<hbm>> -> memref<16x128xf32, #tpu.memory_space<hbm>>
      %dma_start3A_873 = arith.constant 0 : i32
      %dma_start3A_874 = tpu.memref_slice %arg4[%dma_start3A_873, %multiple_of3A_870] : memref<16x1000000xf32, #tpu.memory_space<hbm>> -> memref<16x128xf32, #tpu.memory_space<hbm>>
      tpu.enqueue_dma source(%dma_start3A_874 : memref<16x128xf32, #tpu.memory_space<hbm>>) target(%arg14 : memref<16x128xf32, #tpu.memory_space<vmem>>) target_semaphore(%arg32 : memref<!tpu.dma_semaphore, #tpu.memory_space<semaphore_mem>>)
      %dma_wait3A_875 = arith.constant 0 : i32
      %dma_wait3A_876 = arith.constant 0 : i32
      %dma_wait3A_877 = tpu.memref_slice %arg5[%dma_wait3A_875, %dma_wait3A_876] : memref<16x1000000xf32, #tpu.memory_space<hbm>> -> memref<16x128xf32, #tpu.memory_space<hbm>>
      %dma_wait3A_878 = arith.constant 0 : i32
      %dma_wait3A_879 = arith.constant 0 : i32
      %dma_wait3A_880 = tpu.memref_slice %arg5[%dma_wait3A_878, %dma_wait3A_879] : memref<16x1000000xf32, #tpu.memory_space<hbm>> -> memref<16x128xf32, #tpu.memory_space<hbm>>
      tpu.wait_dma2 semaphore(%arg40 : memref<!tpu.dma_semaphore, #tpu.memory_space<semaphore_mem>>) src(%dma_wait3A_880 : memref<16x128xf32, #tpu.memory_space<hbm>>) dst(%arg22 : memref<16x128xf32, #tpu.memory_space<vmem>>)
      %broadcast_in_dim3A_881 = vector.broadcast %add3A_838 : i32 to vector<16xi32>
      %gather3A_882 = tpu.vector_load_idx %arg9[%broadcast_in_dim3A_881] : memref<528xi32, #tpu.memory_space<vmem>>[vector<16xi32>], vector<16xi32>,
      %and3A_883 = arith.constant 127 : i32
      %and3A_884 = vector.broadcast %and3A_883 : i32 to vector<16xi32>
      %and3A_885 = arith.andi %gather3A_882, %and3A_884 : vector<16xi32>
      %gather3A_886 = tpu.vector_load_idx %arg22[%iota3A, %and3A_885] : memref<16x128xf32, #tpu.memory_space<vmem>>[vector<16xi32>, vector<16xi32>], vector<16xf32>,
      %shift_right_logical3A_887 = arith.constant 3 : i32
      %shift_right_logical3A_888 = arith.shrui %add3A_838, %shift_right_logical3A_887 : i32
      %broadcast_in_dim3A_889 = vector.broadcast %shift_right_logical3A_888 : i32 to vector<16xi32>
      %and3A_890 = arith.constant 7 : i32
      %and3A_891 = arith.andi %add3A_838, %and3A_890 : i32
      %mul3A_892 = arith.constant 16 : i32
      %mul3A_893 = arith.muli %and3A_891, %mul3A_892 : i32
      %add3A_894 = vector.broadcast %mul3A_893 : i32 to vector<16xi32>
      %add3A_895 = arith.addi %add3A_894, %iota3A : vector<16xi32>
      tpu.vector_store_idx %arg27[%broadcast_in_dim3A_889, %add3A_895], %gather3A_886 : memref<64x128xf32, #tpu.memory_space<vmem>>[vector<16xi32>, vector<16xi32>], vector<16xf32>,
      %add3A_896 = arith.constant 8 : i32
      %add3A_897 = arith.addi %add3A_838, %add3A_896 : i32
      %get3A_898 = arith.index_cast %add3A_897 : i32 to index
      %get3A_899 = tpu.vector_load %arg9[%get3A_898] {strides = array<i32>} : memref<528xi32, #tpu.memory_space<vmem>>, vector<16xi32>,
      %slice3A_900 = vector.extract_strided_slice %get3A_899 {offsets = [0], sizes = [1], strides = [1]} : vector<16xi32> to vector<1xi32>
      %squeeze3A_901 = vector.extract %slice3A_900[0] : i32 from vector<1xi32>
      %shift_right_logical3A_902 = arith.constant 7 : i32
      %shift_right_logical3A_903 = arith.shrui %squeeze3A_901, %shift_right_logical3A_902 : i32
      %mul3A_904 = arith.constant 128 : i32
      %mul3A_905 = arith.muli %shift_right_logical3A_903, %mul3A_904 : i32
      %multiple_of3A_906 = tpu.assume_multiple %mul3A_905, 128 : i32
      %dma_start3A_907 = arith.constant 0 : i32
      %dma_start3A_908 = tpu.memref_slice %arg5[%dma_start3A_907, %multiple_of3A_906] : memref<16x1000000xf32, #tpu.memory_space<hbm>> -> memref<16x128xf32, #tpu.memory_space<hbm>>
      %dma_start3A_909 = arith.constant 0 : i32
      %dma_start3A_910 = tpu.memref_slice %arg5[%dma_start3A_909, %multiple_of3A_906] : memref<16x1000000xf32, #tpu.memory_space<hbm>> -> memref<16x128xf32, #tpu.memory_space<hbm>>
      tpu.enqueue_dma source(%dma_start3A_910 : memref<16x128xf32, #tpu.memory_space<hbm>>) target(%arg22 : memref<16x128xf32, #tpu.memory_space<vmem>>) target_semaphore(%arg40 : memref<!tpu.dma_semaphore, #tpu.memory_space<semaphore_mem>>)
      %mul3A_911 = arith.constant 8 : i32
      %mul3A_912 = arith.muli %scan3A_530, %mul3A_911 : i32
      %add3A_913 = arith.constant 5 : i32
      %add3A_914 = arith.addi %mul3A_912, %add3A_913 : i32
      %dma_wait3A_915 = arith.constant 0 : i32
      %dma_wait3A_916 = arith.constant 0 : i32
      %dma_wait3A_917 = tpu.memref_slice %arg4[%dma_wait3A_915, %dma_wait3A_916] : memref<16x1000000xf32, #tpu.memory_space<hbm>> -> memref<16x128xf32, #tpu.memory_space<hbm>>
      %dma_wait3A_918 = arith.constant 0 : i32
      %dma_wait3A_919 = arith.constant 0 : i32
      %dma_wait3A_920 = tpu.memref_slice %arg4[%dma_wait3A_918, %dma_wait3A_919] : memref<16x1000000xf32, #tpu.memory_space<hbm>> -> memref<16x128xf32, #tpu.memory_space<hbm>>
      tpu.wait_dma2 semaphore(%arg33 : memref<!tpu.dma_semaphore, #tpu.memory_space<semaphore_mem>>) src(%dma_wait3A_920 : memref<16x128xf32, #tpu.memory_space<hbm>>) dst(%arg15 : memref<16x128xf32, #tpu.memory_space<vmem>>)
      %broadcast_in_dim3A_921 = vector.broadcast %add3A_914 : i32 to vector<16xi32>
      %gather3A_922 = tpu.vector_load_idx %arg8[%broadcast_in_dim3A_921] : memref<528xi32, #tpu.memory_space<vmem>>[vector<16xi32>], vector<16xi32>,
      %and3A_923 = arith.constant 127 : i32
      %and3A_924 = vector.broadcast %and3A_923 : i32 to vector<16xi32>
      %and3A_925 = arith.andi %gather3A_922, %and3A_924 : vector<16xi32>
      %gather3A_926 = tpu.vector_load_idx %arg15[%iota3A, %and3A_925] : memref<16x128xf32, #tpu.memory_space<vmem>>[vector<16xi32>, vector<16xi32>], vector<16xf32>,
      %shift_right_logical3A_927 = arith.constant 3 : i32
      %shift_right_logical3A_928 = arith.shrui %add3A_914, %shift_right_logical3A_927 : i32
      %broadcast_in_dim3A_929 = vector.broadcast %shift_right_logical3A_928 : i32 to vector<16xi32>
      %and3A_930 = arith.constant 7 : i32
      %and3A_931 = arith.andi %add3A_914, %and3A_930 : i32
      %mul3A_932 = arith.constant 16 : i32
      %mul3A_933 = arith.muli %and3A_931, %mul3A_932 : i32
      %add3A_934 = vector.broadcast %mul3A_933 : i32 to vector<16xi32>
      %add3A_935 = arith.addi %add3A_934, %iota3A : vector<16xi32>
      tpu.vector_store_idx %arg26[%broadcast_in_dim3A_929, %add3A_935], %gather3A_926 : memref<64x128xf32, #tpu.memory_space<vmem>>[vector<16xi32>, vector<16xi32>], vector<16xf32>,
      %add3A_936 = arith.constant 8 : i32
      %add3A_937 = arith.addi %add3A_914, %add3A_936 : i32
      %get3A_938 = arith.index_cast %add3A_937 : i32 to index
      %get3A_939 = tpu.vector_load %arg8[%get3A_938] {strides = array<i32>} : memref<528xi32, #tpu.memory_space<vmem>>, vector<16xi32>,
      %slice3A_940 = vector.extract_strided_slice %get3A_939 {offsets = [0], sizes = [1], strides = [1]} : vector<16xi32> to vector<1xi32>
      %squeeze3A_941 = vector.extract %slice3A_940[0] : i32 from vector<1xi32>
      %shift_right_logical3A_942 = arith.constant 7 : i32
      %shift_right_logical3A_943 = arith.shrui %squeeze3A_941, %shift_right_logical3A_942 : i32
      %mul3A_944 = arith.constant 128 : i32
      %mul3A_945 = arith.muli %shift_right_logical3A_943, %mul3A_944 : i32
      %multiple_of3A_946 = tpu.assume_multiple %mul3A_945, 128 : i32
      %dma_start3A_947 = arith.constant 0 : i32
      %dma_start3A_948 = tpu.memref_slice %arg4[%dma_start3A_947, %multiple_of3A_946] : memref<16x1000000xf32, #tpu.memory_space<hbm>> -> memref<16x128xf32, #tpu.memory_space<hbm>>
      %dma_start3A_949 = arith.constant 0 : i32
      %dma_start3A_950 = tpu.memref_slice %arg4[%dma_start3A_949, %multiple_of3A_946] : memref<16x1000000xf32, #tpu.memory_space<hbm>> -> memref<16x128xf32, #tpu.memory_space<hbm>>
      tpu.enqueue_dma source(%dma_start3A_950 : memref<16x128xf32, #tpu.memory_space<hbm>>) target(%arg15 : memref<16x128xf32, #tpu.memory_space<vmem>>) target_semaphore(%arg33 : memref<!tpu.dma_semaphore, #tpu.memory_space<semaphore_mem>>)
      %dma_wait3A_951 = arith.constant 0 : i32
      %dma_wait3A_952 = arith.constant 0 : i32
      %dma_wait3A_953 = tpu.memref_slice %arg5[%dma_wait3A_951, %dma_wait3A_952] : memref<16x1000000xf32, #tpu.memory_space<hbm>> -> memref<16x128xf32, #tpu.memory_space<hbm>>
      %dma_wait3A_954 = arith.constant 0 : i32
      %dma_wait3A_955 = arith.constant 0 : i32
      %dma_wait3A_956 = tpu.memref_slice %arg5[%dma_wait3A_954, %dma_wait3A_955] : memref<16x1000000xf32, #tpu.memory_space<hbm>> -> memref<16x128xf32, #tpu.memory_space<hbm>>
      tpu.wait_dma2 semaphore(%arg41 : memref<!tpu.dma_semaphore, #tpu.memory_space<semaphore_mem>>) src(%dma_wait3A_956 : memref<16x128xf32, #tpu.memory_space<hbm>>) dst(%arg23 : memref<16x128xf32, #tpu.memory_space<vmem>>)
      %broadcast_in_dim3A_957 = vector.broadcast %add3A_914 : i32 to vector<16xi32>
      %gather3A_958 = tpu.vector_load_idx %arg9[%broadcast_in_dim3A_957] : memref<528xi32, #tpu.memory_space<vmem>>[vector<16xi32>], vector<16xi32>,
      %and3A_959 = arith.constant 127 : i32
      %and3A_960 = vector.broadcast %and3A_959 : i32 to vector<16xi32>
      %and3A_961 = arith.andi %gather3A_958, %and3A_960 : vector<16xi32>
      %gather3A_962 = tpu.vector_load_idx %arg23[%iota3A, %and3A_961] : memref<16x128xf32, #tpu.memory_space<vmem>>[vector<16xi32>, vector<16xi32>], vector<16xf32>,
      %shift_right_logical3A_963 = arith.constant 3 : i32
      %shift_right_logical3A_964 = arith.shrui %add3A_914, %shift_right_logical3A_963 : i32
      %broadcast_in_dim3A_965 = vector.broadcast %shift_right_logical3A_964 : i32 to vector<16xi32>
      %and3A_966 = arith.constant 7 : i32
      %and3A_967 = arith.andi %add3A_914, %and3A_966 : i32
      %mul3A_968 = arith.constant 16 : i32
      %mul3A_969 = arith.muli %and3A_967, %mul3A_968 : i32
      %add3A_970 = vector.broadcast %mul3A_969 : i32 to vector<16xi32>
      %add3A_971 = arith.addi %add3A_970, %iota3A : vector<16xi32>
      tpu.vector_store_idx %arg27[%broadcast_in_dim3A_965, %add3A_971], %gather3A_962 : memref<64x128xf32, #tpu.memory_space<vmem>>[vector<16xi32>, vector<16xi32>], vector<16xf32>,
      %add3A_972 = arith.constant 8 : i32
      %add3A_973 = arith.addi %add3A_914, %add3A_972 : i32
      %get3A_974 = arith.index_cast %add3A_973 : i32 to index
      %get3A_975 = tpu.vector_load %arg9[%get3A_974] {strides = array<i32>} : memref<528xi32, #tpu.memory_space<vmem>>, vector<16xi32>,
      %slice3A_976 = vector.extract_strided_slice %get3A_975 {offsets = [0], sizes = [1], strides = [1]} : vector<16xi32> to vector<1xi32>
      %squeeze3A_977 = vector.extract %slice3A_976[0] : i32 from vector<1xi32>
      %shift_right_logical3A_978 = arith.constant 7 : i32
      %shift_right_logical3A_979 = arith.shrui %squeeze3A_977, %shift_right_logical3A_978 : i32
      %mul3A_980 = arith.constant 128 : i32
      %mul3A_981 = arith.muli %shift_right_logical3A_979, %mul3A_980 : i32
      %multiple_of3A_982 = tpu.assume_multiple %mul3A_981, 128 : i32
      %dma_start3A_983 = arith.constant 0 : i32
      %dma_start3A_984 = tpu.memref_slice %arg5[%dma_start3A_983, %multiple_of3A_982] : memref<16x1000000xf32, #tpu.memory_space<hbm>> -> memref<16x128xf32, #tpu.memory_space<hbm>>
      %dma_start3A_985 = arith.constant 0 : i32
      %dma_start3A_986 = tpu.memref_slice %arg5[%dma_start3A_985, %multiple_of3A_982] : memref<16x1000000xf32, #tpu.memory_space<hbm>> -> memref<16x128xf32, #tpu.memory_space<hbm>>
      tpu.enqueue_dma source(%dma_start3A_986 : memref<16x128xf32, #tpu.memory_space<hbm>>) target(%arg23 : memref<16x128xf32, #tpu.memory_space<vmem>>) target_semaphore(%arg41 : memref<!tpu.dma_semaphore, #tpu.memory_space<semaphore_mem>>)
      %mul3A_987 = arith.constant 8 : i32
      %mul3A_988 = arith.muli %scan3A_530, %mul3A_987 : i32
      %add3A_989 = arith.constant 6 : i32
      %add3A_990 = arith.addi %mul3A_988, %add3A_989 : i32
      %dma_wait3A_991 = arith.constant 0 : i32
      %dma_wait3A_992 = arith.constant 0 : i32
      %dma_wait3A_993 = tpu.memref_slice %arg4[%dma_wait3A_991, %dma_wait3A_992] : memref<16x1000000xf32, #tpu.memory_space<hbm>> -> memref<16x128xf32, #tpu.memory_space<hbm>>
      %dma_wait3A_994 = arith.constant 0 : i32
      %dma_wait3A_995 = arith.constant 0 : i32
      %dma_wait3A_996 = tpu.memref_slice %arg4[%dma_wait3A_994, %dma_wait3A_995] : memref<16x1000000xf32, #tpu.memory_space<hbm>> -> memref<16x128xf32, #tpu.memory_space<hbm>>
      tpu.wait_dma2 semaphore(%arg34 : memref<!tpu.dma_semaphore, #tpu.memory_space<semaphore_mem>>) src(%dma_wait3A_996 : memref<16x128xf32, #tpu.memory_space<hbm>>) dst(%arg16 : memref<16x128xf32, #tpu.memory_space<vmem>>)
      %broadcast_in_dim3A_997 = vector.broadcast %add3A_990 : i32 to vector<16xi32>
      %gather3A_998 = tpu.vector_load_idx %arg8[%broadcast_in_dim3A_997] : memref<528xi32, #tpu.memory_space<vmem>>[vector<16xi32>], vector<16xi32>,
      %and3A_999 = arith.constant 127 : i32
      %and3A_1000 = vector.broadcast %and3A_999 : i32 to vector<16xi32>
      %and3A_1001 = arith.andi %gather3A_998, %and3A_1000 : vector<16xi32>
      %gather3A_1002 = tpu.vector_load_idx %arg16[%iota3A, %and3A_1001] : memref<16x128xf32, #tpu.memory_space<vmem>>[vector<16xi32>, vector<16xi32>], vector<16xf32>,
      %shift_right_logical3A_1003 = arith.constant 3 : i32
      %shift_right_logical3A_1004 = arith.shrui %add3A_990, %shift_right_logical3A_1003 : i32
      %broadcast_in_dim3A_1005 = vector.broadcast %shift_right_logical3A_1004 : i32 to vector<16xi32>
      %and3A_1006 = arith.constant 7 : i32
      %and3A_1007 = arith.andi %add3A_990, %and3A_1006 : i32
      %mul3A_1008 = arith.constant 16 : i32
      %mul3A_1009 = arith.muli %and3A_1007, %mul3A_1008 : i32
      %add3A_1010 = vector.broadcast %mul3A_1009 : i32 to vector<16xi32>
      %add3A_1011 = arith.addi %add3A_1010, %iota3A : vector<16xi32>
      tpu.vector_store_idx %arg26[%broadcast_in_dim3A_1005, %add3A_1011], %gather3A_1002 : memref<64x128xf32, #tpu.memory_space<vmem>>[vector<16xi32>, vector<16xi32>], vector<16xf32>,
      %add3A_1012 = arith.constant 8 : i32
      %add3A_1013 = arith.addi %add3A_990, %add3A_1012 : i32
      %get3A_1014 = arith.index_cast %add3A_1013 : i32 to index
      %get3A_1015 = tpu.vector_load %arg8[%get3A_1014] {strides = array<i32>} : memref<528xi32, #tpu.memory_space<vmem>>, vector<16xi32>,
      %slice3A_1016 = vector.extract_strided_slice %get3A_1015 {offsets = [0], sizes = [1], strides = [1]} : vector<16xi32> to vector<1xi32>
      %squeeze3A_1017 = vector.extract %slice3A_1016[0] : i32 from vector<1xi32>
      %shift_right_logical3A_1018 = arith.constant 7 : i32
      %shift_right_logical3A_1019 = arith.shrui %squeeze3A_1017, %shift_right_logical3A_1018 : i32
      %mul3A_1020 = arith.constant 128 : i32
      %mul3A_1021 = arith.muli %shift_right_logical3A_1019, %mul3A_1020 : i32
      %multiple_of3A_1022 = tpu.assume_multiple %mul3A_1021, 128 : i32
      %dma_start3A_1023 = arith.constant 0 : i32
      %dma_start3A_1024 = tpu.memref_slice %arg4[%dma_start3A_1023, %multiple_of3A_1022] : memref<16x1000000xf32, #tpu.memory_space<hbm>> -> memref<16x128xf32, #tpu.memory_space<hbm>>
      %dma_start3A_1025 = arith.constant 0 : i32
      %dma_start3A_1026 = tpu.memref_slice %arg4[%dma_start3A_1025, %multiple_of3A_1022] : memref<16x1000000xf32, #tpu.memory_space<hbm>> -> memref<16x128xf32, #tpu.memory_space<hbm>>
      tpu.enqueue_dma source(%dma_start3A_1026 : memref<16x128xf32, #tpu.memory_space<hbm>>) target(%arg16 : memref<16x128xf32, #tpu.memory_space<vmem>>) target_semaphore(%arg34 : memref<!tpu.dma_semaphore, #tpu.memory_space<semaphore_mem>>)
      %dma_wait3A_1027 = arith.constant 0 : i32
      %dma_wait3A_1028 = arith.constant 0 : i32
      %dma_wait3A_1029 = tpu.memref_slice %arg5[%dma_wait3A_1027, %dma_wait3A_1028] : memref<16x1000000xf32, #tpu.memory_space<hbm>> -> memref<16x128xf32, #tpu.memory_space<hbm>>
      %dma_wait3A_1030 = arith.constant 0 : i32
      %dma_wait3A_1031 = arith.constant 0 : i32
      %dma_wait3A_1032 = tpu.memref_slice %arg5[%dma_wait3A_1030, %dma_wait3A_1031] : memref<16x1000000xf32, #tpu.memory_space<hbm>> -> memref<16x128xf32, #tpu.memory_space<hbm>>
      tpu.wait_dma2 semaphore(%arg42 : memref<!tpu.dma_semaphore, #tpu.memory_space<semaphore_mem>>) src(%dma_wait3A_1032 : memref<16x128xf32, #tpu.memory_space<hbm>>) dst(%arg24 : memref<16x128xf32, #tpu.memory_space<vmem>>)
      %broadcast_in_dim3A_1033 = vector.broadcast %add3A_990 : i32 to vector<16xi32>
      %gather3A_1034 = tpu.vector_load_idx %arg9[%broadcast_in_dim3A_1033] : memref<528xi32, #tpu.memory_space<vmem>>[vector<16xi32>], vector<16xi32>,
      %and3A_1035 = arith.constant 127 : i32
      %and3A_1036 = vector.broadcast %and3A_1035 : i32 to vector<16xi32>
      %and3A_1037 = arith.andi %gather3A_1034, %and3A_1036 : vector<16xi32>
      %gather3A_1038 = tpu.vector_load_idx %arg24[%iota3A, %and3A_1037] : memref<16x128xf32, #tpu.memory_space<vmem>>[vector<16xi32>, vector<16xi32>], vector<16xf32>,
      %shift_right_logical3A_1039 = arith.constant 3 : i32
      %shift_right_logical3A_1040 = arith.shrui %add3A_990, %shift_right_logical3A_1039 : i32
      %broadcast_in_dim3A_1041 = vector.broadcast %shift_right_logical3A_1040 : i32 to vector<16xi32>
      %and3A_1042 = arith.constant 7 : i32
      %and3A_1043 = arith.andi %add3A_990, %and3A_1042 : i32
      %mul3A_1044 = arith.constant 16 : i32
      %mul3A_1045 = arith.muli %and3A_1043, %mul3A_1044 : i32
      %add3A_1046 = vector.broadcast %mul3A_1045 : i32 to vector<16xi32>
      %add3A_1047 = arith.addi %add3A_1046, %iota3A : vector<16xi32>
      tpu.vector_store_idx %arg27[%broadcast_in_dim3A_1041, %add3A_1047], %gather3A_1038 : memref<64x128xf32, #tpu.memory_space<vmem>>[vector<16xi32>, vector<16xi32>], vector<16xf32>,
      %add3A_1048 = arith.constant 8 : i32
      %add3A_1049 = arith.addi %add3A_990, %add3A_1048 : i32
      %get3A_1050 = arith.index_cast %add3A_1049 : i32 to index
      %get3A_1051 = tpu.vector_load %arg9[%get3A_1050] {strides = array<i32>} : memref<528xi32, #tpu.memory_space<vmem>>, vector<16xi32>,
      %slice3A_1052 = vector.extract_strided_slice %get3A_1051 {offsets = [0], sizes = [1], strides = [1]} : vector<16xi32> to vector<1xi32>
      %squeeze3A_1053 = vector.extract %slice3A_1052[0] : i32 from vector<1xi32>
      %shift_right_logical3A_1054 = arith.constant 7 : i32
      %shift_right_logical3A_1055 = arith.shrui %squeeze3A_1053, %shift_right_logical3A_1054 : i32
      %mul3A_1056 = arith.constant 128 : i32
      %mul3A_1057 = arith.muli %shift_right_logical3A_1055, %mul3A_1056 : i32
      %multiple_of3A_1058 = tpu.assume_multiple %mul3A_1057, 128 : i32
      %dma_start3A_1059 = arith.constant 0 : i32
      %dma_start3A_1060 = tpu.memref_slice %arg5[%dma_start3A_1059, %multiple_of3A_1058] : memref<16x1000000xf32, #tpu.memory_space<hbm>> -> memref<16x128xf32, #tpu.memory_space<hbm>>
      %dma_start3A_1061 = arith.constant 0 : i32
      %dma_start3A_1062 = tpu.memref_slice %arg5[%dma_start3A_1061, %multiple_of3A_1058] : memref<16x1000000xf32, #tpu.memory_space<hbm>> -> memref<16x128xf32, #tpu.memory_space<hbm>>
      tpu.enqueue_dma source(%dma_start3A_1062 : memref<16x128xf32, #tpu.memory_space<hbm>>) target(%arg24 : memref<16x128xf32, #tpu.memory_space<vmem>>) target_semaphore(%arg42 : memref<!tpu.dma_semaphore, #tpu.memory_space<semaphore_mem>>)
      %mul3A_1063 = arith.constant 8 : i32
      %mul3A_1064 = arith.muli %scan3A_530, %mul3A_1063 : i32
      %add3A_1065 = arith.constant 7 : i32
      %add3A_1066 = arith.addi %mul3A_1064, %add3A_1065 : i32
      %dma_wait3A_1067 = arith.constant 0 : i32
      %dma_wait3A_1068 = arith.constant 0 : i32
      %dma_wait3A_1069 = tpu.memref_slice %arg4[%dma_wait3A_1067, %dma_wait3A_1068] : memref<16x1000000xf32, #tpu.memory_space<hbm>> -> memref<16x128xf32, #tpu.memory_space<hbm>>
      %dma_wait3A_1070 = arith.constant 0 : i32
      %dma_wait3A_1071 = arith.constant 0 : i32
      %dma_wait3A_1072 = tpu.memref_slice %arg4[%dma_wait3A_1070, %dma_wait3A_1071] : memref<16x1000000xf32, #tpu.memory_space<hbm>> -> memref<16x128xf32, #tpu.memory_space<hbm>>
      tpu.wait_dma2 semaphore(%arg35 : memref<!tpu.dma_semaphore, #tpu.memory_space<semaphore_mem>>) src(%dma_wait3A_1072 : memref<16x128xf32, #tpu.memory_space<hbm>>) dst(%arg17 : memref<16x128xf32, #tpu.memory_space<vmem>>)
      %broadcast_in_dim3A_1073 = vector.broadcast %add3A_1066 : i32 to vector<16xi32>
      %gather3A_1074 = tpu.vector_load_idx %arg8[%broadcast_in_dim3A_1073] : memref<528xi32, #tpu.memory_space<vmem>>[vector<16xi32>], vector<16xi32>,
      %and3A_1075 = arith.constant 127 : i32
      %and3A_1076 = vector.broadcast %and3A_1075 : i32 to vector<16xi32>
      %and3A_1077 = arith.andi %gather3A_1074, %and3A_1076 : vector<16xi32>
      %gather3A_1078 = tpu.vector_load_idx %arg17[%iota3A, %and3A_1077] : memref<16x128xf32, #tpu.memory_space<vmem>>[vector<16xi32>, vector<16xi32>], vector<16xf32>,
      %shift_right_logical3A_1079 = arith.constant 3 : i32
      %shift_right_logical3A_1080 = arith.shrui %add3A_1066, %shift_right_logical3A_1079 : i32
      %broadcast_in_dim3A_1081 = vector.broadcast %shift_right_logical3A_1080 : i32 to vector<16xi32>
      %and3A_1082 = arith.constant 7 : i32
      %and3A_1083 = arith.andi %add3A_1066, %and3A_1082 : i32
      %mul3A_1084 = arith.constant 16 : i32
      %mul3A_1085 = arith.muli %and3A_1083, %mul3A_1084 : i32
      %add3A_1086 = vector.broadcast %mul3A_1085 : i32 to vector<16xi32>
      %add3A_1087 = arith.addi %add3A_1086, %iota3A : vector<16xi32>
      tpu.vector_store_idx %arg26[%broadcast_in_dim3A_1081, %add3A_1087], %gather3A_1078 : memref<64x128xf32, #tpu.memory_space<vmem>>[vector<16xi32>, vector<16xi32>], vector<16xf32>,
      %add3A_1088 = arith.constant 8 : i32
      %add3A_1089 = arith.addi %add3A_1066, %add3A_1088 : i32
      %get3A_1090 = arith.index_cast %add3A_1089 : i32 to index
      %get3A_1091 = tpu.vector_load %arg8[%get3A_1090] {strides = array<i32>} : memref<528xi32, #tpu.memory_space<vmem>>, vector<16xi32>,
      %slice3A_1092 = vector.extract_strided_slice %get3A_1091 {offsets = [0], sizes = [1], strides = [1]} : vector<16xi32> to vector<1xi32>
      %squeeze3A_1093 = vector.extract %slice3A_1092[0] : i32 from vector<1xi32>
      %shift_right_logical3A_1094 = arith.constant 7 : i32
      %shift_right_logical3A_1095 = arith.shrui %squeeze3A_1093, %shift_right_logical3A_1094 : i32
      %mul3A_1096 = arith.constant 128 : i32
      %mul3A_1097 = arith.muli %shift_right_logical3A_1095, %mul3A_1096 : i32
      %multiple_of3A_1098 = tpu.assume_multiple %mul3A_1097, 128 : i32
      %dma_start3A_1099 = arith.constant 0 : i32
      %dma_start3A_1100 = tpu.memref_slice %arg4[%dma_start3A_1099, %multiple_of3A_1098] : memref<16x1000000xf32, #tpu.memory_space<hbm>> -> memref<16x128xf32, #tpu.memory_space<hbm>>
      %dma_start3A_1101 = arith.constant 0 : i32
      %dma_start3A_1102 = tpu.memref_slice %arg4[%dma_start3A_1101, %multiple_of3A_1098] : memref<16x1000000xf32, #tpu.memory_space<hbm>> -> memref<16x128xf32, #tpu.memory_space<hbm>>
      tpu.enqueue_dma source(%dma_start3A_1102 : memref<16x128xf32, #tpu.memory_space<hbm>>) target(%arg17 : memref<16x128xf32, #tpu.memory_space<vmem>>) target_semaphore(%arg35 : memref<!tpu.dma_semaphore, #tpu.memory_space<semaphore_mem>>)
      %dma_wait3A_1103 = arith.constant 0 : i32
      %dma_wait3A_1104 = arith.constant 0 : i32
      %dma_wait3A_1105 = tpu.memref_slice %arg5[%dma_wait3A_1103, %dma_wait3A_1104] : memref<16x1000000xf32, #tpu.memory_space<hbm>> -> memref<16x128xf32, #tpu.memory_space<hbm>>
      %dma_wait3A_1106 = arith.constant 0 : i32
      %dma_wait3A_1107 = arith.constant 0 : i32
      %dma_wait3A_1108 = tpu.memref_slice %arg5[%dma_wait3A_1106, %dma_wait3A_1107] : memref<16x1000000xf32, #tpu.memory_space<hbm>> -> memref<16x128xf32, #tpu.memory_space<hbm>>
      tpu.wait_dma2 semaphore(%arg43 : memref<!tpu.dma_semaphore, #tpu.memory_space<semaphore_mem>>) src(%dma_wait3A_1108 : memref<16x128xf32, #tpu.memory_space<hbm>>) dst(%arg25 : memref<16x128xf32, #tpu.memory_space<vmem>>)
      %broadcast_in_dim3A_1109 = vector.broadcast %add3A_1066 : i32 to vector<16xi32>
      %gather3A_1110 = tpu.vector_load_idx %arg9[%broadcast_in_dim3A_1109] : memref<528xi32, #tpu.memory_space<vmem>>[vector<16xi32>], vector<16xi32>,
      %and3A_1111 = arith.constant 127 : i32
      %and3A_1112 = vector.broadcast %and3A_1111 : i32 to vector<16xi32>
      %and3A_1113 = arith.andi %gather3A_1110, %and3A_1112 : vector<16xi32>
      %gather3A_1114 = tpu.vector_load_idx %arg25[%iota3A, %and3A_1113] : memref<16x128xf32, #tpu.memory_space<vmem>>[vector<16xi32>, vector<16xi32>], vector<16xf32>,
      %shift_right_logical3A_1115 = arith.constant 3 : i32
      %shift_right_logical3A_1116 = arith.shrui %add3A_1066, %shift_right_logical3A_1115 : i32
      %broadcast_in_dim3A_1117 = vector.broadcast %shift_right_logical3A_1116 : i32 to vector<16xi32>
      %and3A_1118 = arith.constant 7 : i32
      %and3A_1119 = arith.andi %add3A_1066, %and3A_1118 : i32
      %mul3A_1120 = arith.constant 16 : i32
      %mul3A_1121 = arith.muli %and3A_1119, %mul3A_1120 : i32
      %add3A_1122 = vector.broadcast %mul3A_1121 : i32 to vector<16xi32>
      %add3A_1123 = arith.addi %add3A_1122, %iota3A : vector<16xi32>
      tpu.vector_store_idx %arg27[%broadcast_in_dim3A_1117, %add3A_1123], %gather3A_1114 : memref<64x128xf32, #tpu.memory_space<vmem>>[vector<16xi32>, vector<16xi32>], vector<16xf32>,
      %add3A_1124 = arith.constant 8 : i32
      %add3A_1125 = arith.addi %add3A_1066, %add3A_1124 : i32
      %get3A_1126 = arith.index_cast %add3A_1125 : i32 to index
      %get3A_1127 = tpu.vector_load %arg9[%get3A_1126] {strides = array<i32>} : memref<528xi32, #tpu.memory_space<vmem>>, vector<16xi32>,
      %slice3A_1128 = vector.extract_strided_slice %get3A_1127 {offsets = [0], sizes = [1], strides = [1]} : vector<16xi32> to vector<1xi32>
      %squeeze3A_1129 = vector.extract %slice3A_1128[0] : i32 from vector<1xi32>
      %shift_right_logical3A_1130 = arith.constant 7 : i32
      %shift_right_logical3A_1131 = arith.shrui %squeeze3A_1129, %shift_right_logical3A_1130 : i32
      %mul3A_1132 = arith.constant 128 : i32
      %mul3A_1133 = arith.muli %shift_right_logical3A_1131, %mul3A_1132 : i32
      %multiple_of3A_1134 = tpu.assume_multiple %mul3A_1133, 128 : i32
      %dma_start3A_1135 = arith.constant 0 : i32
      %dma_start3A_1136 = tpu.memref_slice %arg5[%dma_start3A_1135, %multiple_of3A_1134] : memref<16x1000000xf32, #tpu.memory_space<hbm>> -> memref<16x128xf32, #tpu.memory_space<hbm>>
      %dma_start3A_1137 = arith.constant 0 : i32
      %dma_start3A_1138 = tpu.memref_slice %arg5[%dma_start3A_1137, %multiple_of3A_1134] : memref<16x1000000xf32, #tpu.memory_space<hbm>> -> memref<16x128xf32, #tpu.memory_space<hbm>>
      tpu.enqueue_dma source(%dma_start3A_1138 : memref<16x128xf32, #tpu.memory_space<hbm>>) target(%arg25 : memref<16x128xf32, #tpu.memory_space<vmem>>) target_semaphore(%arg43 : memref<!tpu.dma_semaphore, #tpu.memory_space<semaphore_mem>>)
    }
    %scan3A_209 = arith.constant 63 : i32
    %dma_wait3A = arith.constant 0 : i32
    %dma_wait3A_210 = arith.constant 0 : i32
    %dma_wait3A_211 = tpu.memref_slice %arg4[%dma_wait3A, %dma_wait3A_210] : memref<16x1000000xf32, #tpu.memory_space<hbm>> -> memref<16x128xf32, #tpu.memory_space<hbm>>
    %dma_wait3A_212 = arith.constant 0 : i32
    %dma_wait3A_213 = arith.constant 0 : i32
    %dma_wait3A_214 = tpu.memref_slice %arg4[%dma_wait3A_212, %dma_wait3A_213] : memref<16x1000000xf32, #tpu.memory_space<hbm>> -> memref<16x128xf32, #tpu.memory_space<hbm>>
    tpu.wait_dma2 semaphore(%arg28 : memref<!tpu.dma_semaphore, #tpu.memory_space<semaphore_mem>>) src(%dma_wait3A_214 : memref<16x128xf32, #tpu.memory_space<hbm>>) dst(%arg10 : memref<16x128xf32, #tpu.memory_space<vmem>>)
    %broadcast_in_dim3A = arith.constant 504 : i32
    %broadcast_in_dim3A_215 = vector.broadcast %broadcast_in_dim3A : i32 to vector<16xi32>
    %gather3A = tpu.vector_load_idx %arg8[%broadcast_in_dim3A_215] : memref<528xi32, #tpu.memory_space<vmem>>[vector<16xi32>], vector<16xi32>,
    %and3A = arith.constant 127 : i32
    %and3A_216 = vector.broadcast %and3A : i32 to vector<16xi32>
    %and3A_217 = arith.andi %gather3A, %and3A_216 : vector<16xi32>
    %gather3A_218 = tpu.vector_load_idx %arg10[%iota3A, %and3A_217] : memref<16x128xf32, #tpu.memory_space<vmem>>[vector<16xi32>, vector<16xi32>], vector<16xf32>,
    %shift_right_logical3A_219 = arith.constant 504 : i32
    %shift_right_logical3A_220 = arith.constant 3 : i32
    %shift_right_logical3A_221 = arith.shrui %shift_right_logical3A_219, %shift_right_logical3A_220 : i32
    %broadcast_in_dim3A_222 = vector.broadcast %shift_right_logical3A_221 : i32 to vector<16xi32>
    %add3A_223 = arith.constant 0 : i32
    %add3A_224 = vector.broadcast %add3A_223 : i32 to vector<16xi32>
    %add3A_225 = arith.addi %add3A_224, %iota3A : vector<16xi32>
    tpu.vector_store_idx %arg26[%broadcast_in_dim3A_222, %add3A_225], %gather3A_218 : memref<64x128xf32, #tpu.memory_space<vmem>>[vector<16xi32>, vector<16xi32>], vector<16xf32>,
    %dma_wait3A_226 = arith.constant 0 : i32
    %dma_wait3A_227 = arith.constant 0 : i32
    %dma_wait3A_228 = tpu.memref_slice %arg5[%dma_wait3A_226, %dma_wait3A_227] : memref<16x1000000xf32, #tpu.memory_space<hbm>> -> memref<16x128xf32, #tpu.memory_space<hbm>>
    %dma_wait3A_229 = arith.constant 0 : i32
    %dma_wait3A_230 = arith.constant 0 : i32
    %dma_wait3A_231 = tpu.memref_slice %arg5[%dma_wait3A_229, %dma_wait3A_230] : memref<16x1000000xf32, #tpu.memory_space<hbm>> -> memref<16x128xf32, #tpu.memory_space<hbm>>
    tpu.wait_dma2 semaphore(%arg36 : memref<!tpu.dma_semaphore, #tpu.memory_space<semaphore_mem>>) src(%dma_wait3A_231 : memref<16x128xf32, #tpu.memory_space<hbm>>) dst(%arg18 : memref<16x128xf32, #tpu.memory_space<vmem>>)
    %broadcast_in_dim3A_232 = arith.constant 504 : i32
    %broadcast_in_dim3A_233 = vector.broadcast %broadcast_in_dim3A_232 : i32 to vector<16xi32>
    %gather3A_234 = tpu.vector_load_idx %arg9[%broadcast_in_dim3A_233] : memref<528xi32, #tpu.memory_space<vmem>>[vector<16xi32>], vector<16xi32>,
    %and3A_235 = arith.constant 127 : i32
    %and3A_236 = vector.broadcast %and3A_235 : i32 to vector<16xi32>
    %and3A_237 = arith.andi %gather3A_234, %and3A_236 : vector<16xi32>
    %gather3A_238 = tpu.vector_load_idx %arg18[%iota3A, %and3A_237] : memref<16x128xf32, #tpu.memory_space<vmem>>[vector<16xi32>, vector<16xi32>], vector<16xf32>,
    %shift_right_logical3A_239 = arith.constant 504 : i32
    %shift_right_logical3A_240 = arith.constant 3 : i32
    %shift_right_logical3A_241 = arith.shrui %shift_right_logical3A_239, %shift_right_logical3A_240 : i32
    %broadcast_in_dim3A_242 = vector.broadcast %shift_right_logical3A_241 : i32 to vector<16xi32>
    %add3A_243 = arith.constant 0 : i32
    %add3A_244 = vector.broadcast %add3A_243 : i32 to vector<16xi32>
    %add3A_245 = arith.addi %add3A_244, %iota3A : vector<16xi32>
    tpu.vector_store_idx %arg27[%broadcast_in_dim3A_242, %add3A_245], %gather3A_238 : memref<64x128xf32, #tpu.memory_space<vmem>>[vector<16xi32>, vector<16xi32>], vector<16xf32>,
    %dma_wait3A_246 = arith.constant 0 : i32
    %dma_wait3A_247 = arith.constant 0 : i32
    %dma_wait3A_248 = tpu.memref_slice %arg4[%dma_wait3A_246, %dma_wait3A_247] : memref<16x1000000xf32, #tpu.memory_space<hbm>> -> memref<16x128xf32, #tpu.memory_space<hbm>>
    %dma_wait3A_249 = arith.constant 0 : i32
    %dma_wait3A_250 = arith.constant 0 : i32
    %dma_wait3A_251 = tpu.memref_slice %arg4[%dma_wait3A_249, %dma_wait3A_250] : memref<16x1000000xf32, #tpu.memory_space<hbm>> -> memref<16x128xf32, #tpu.memory_space<hbm>>
    tpu.wait_dma2 semaphore(%arg29 : memref<!tpu.dma_semaphore, #tpu.memory_space<semaphore_mem>>) src(%dma_wait3A_251 : memref<16x128xf32, #tpu.memory_space<hbm>>) dst(%arg11 : memref<16x128xf32, #tpu.memory_space<vmem>>)
    %broadcast_in_dim3A_252 = arith.constant 505 : i32
    %broadcast_in_dim3A_253 = vector.broadcast %broadcast_in_dim3A_252 : i32 to vector<16xi32>
    %gather3A_254 = tpu.vector_load_idx %arg8[%broadcast_in_dim3A_253] : memref<528xi32, #tpu.memory_space<vmem>>[vector<16xi32>], vector<16xi32>,
    %and3A_255 = arith.constant 127 : i32
    %and3A_256 = vector.broadcast %and3A_255 : i32 to vector<16xi32>
    %and3A_257 = arith.andi %gather3A_254, %and3A_256 : vector<16xi32>
    %gather3A_258 = tpu.vector_load_idx %arg11[%iota3A, %and3A_257] : memref<16x128xf32, #tpu.memory_space<vmem>>[vector<16xi32>, vector<16xi32>], vector<16xf32>,
    %shift_right_logical3A_259 = arith.constant 505 : i32
    %shift_right_logical3A_260 = arith.constant 3 : i32
    %shift_right_logical3A_261 = arith.shrui %shift_right_logical3A_259, %shift_right_logical3A_260 : i32
    %broadcast_in_dim3A_262 = vector.broadcast %shift_right_logical3A_261 : i32 to vector<16xi32>
    %add3A_263 = arith.constant 16 : i32
    %add3A_264 = vector.broadcast %add3A_263 : i32 to vector<16xi32>
    %add3A_265 = arith.addi %add3A_264, %iota3A : vector<16xi32>
    tpu.vector_store_idx %arg26[%broadcast_in_dim3A_262, %add3A_265], %gather3A_258 : memref<64x128xf32, #tpu.memory_space<vmem>>[vector<16xi32>, vector<16xi32>], vector<16xf32>,
    %dma_wait3A_266 = arith.constant 0 : i32
    %dma_wait3A_267 = arith.constant 0 : i32
    %dma_wait3A_268 = tpu.memref_slice %arg5[%dma_wait3A_266, %dma_wait3A_267] : memref<16x1000000xf32, #tpu.memory_space<hbm>> -> memref<16x128xf32, #tpu.memory_space<hbm>>
    %dma_wait3A_269 = arith.constant 0 : i32
    %dma_wait3A_270 = arith.constant 0 : i32
    %dma_wait3A_271 = tpu.memref_slice %arg5[%dma_wait3A_269, %dma_wait3A_270] : memref<16x1000000xf32, #tpu.memory_space<hbm>> -> memref<16x128xf32, #tpu.memory_space<hbm>>
    tpu.wait_dma2 semaphore(%arg37 : memref<!tpu.dma_semaphore, #tpu.memory_space<semaphore_mem>>) src(%dma_wait3A_271 : memref<16x128xf32, #tpu.memory_space<hbm>>) dst(%arg19 : memref<16x128xf32, #tpu.memory_space<vmem>>)
    %broadcast_in_dim3A_272 = arith.constant 505 : i32
    %broadcast_in_dim3A_273 = vector.broadcast %broadcast_in_dim3A_272 : i32 to vector<16xi32>
    %gather3A_274 = tpu.vector_load_idx %arg9[%broadcast_in_dim3A_273] : memref<528xi32, #tpu.memory_space<vmem>>[vector<16xi32>], vector<16xi32>,
    %and3A_275 = arith.constant 127 : i32
    %and3A_276 = vector.broadcast %and3A_275 : i32 to vector<16xi32>
    %and3A_277 = arith.andi %gather3A_274, %and3A_276 : vector<16xi32>
    %gather3A_278 = tpu.vector_load_idx %arg19[%iota3A, %and3A_277] : memref<16x128xf32, #tpu.memory_space<vmem>>[vector<16xi32>, vector<16xi32>], vector<16xf32>,
    %shift_right_logical3A_279 = arith.constant 505 : i32
    %shift_right_logical3A_280 = arith.constant 3 : i32
    %shift_right_logical3A_281 = arith.shrui %shift_right_logical3A_279, %shift_right_logical3A_280 : i32
    %broadcast_in_dim3A_282 = vector.broadcast %shift_right_logical3A_281 : i32 to vector<16xi32>
    %add3A_283 = arith.constant 16 : i32
    %add3A_284 = vector.broadcast %add3A_283 : i32 to vector<16xi32>
    %add3A_285 = arith.addi %add3A_284, %iota3A : vector<16xi32>
    tpu.vector_store_idx %arg27[%broadcast_in_dim3A_282, %add3A_285], %gather3A_278 : memref<64x128xf32, #tpu.memory_space<vmem>>[vector<16xi32>, vector<16xi32>], vector<16xf32>,
    %dma_wait3A_286 = arith.constant 0 : i32
    %dma_wait3A_287 = arith.constant 0 : i32
    %dma_wait3A_288 = tpu.memref_slice %arg4[%dma_wait3A_286, %dma_wait3A_287] : memref<16x1000000xf32, #tpu.memory_space<hbm>> -> memref<16x128xf32, #tpu.memory_space<hbm>>
    %dma_wait3A_289 = arith.constant 0 : i32
    %dma_wait3A_290 = arith.constant 0 : i32
    %dma_wait3A_291 = tpu.memref_slice %arg4[%dma_wait3A_289, %dma_wait3A_290] : memref<16x1000000xf32, #tpu.memory_space<hbm>> -> memref<16x128xf32, #tpu.memory_space<hbm>>
    tpu.wait_dma2 semaphore(%arg30 : memref<!tpu.dma_semaphore, #tpu.memory_space<semaphore_mem>>) src(%dma_wait3A_291 : memref<16x128xf32, #tpu.memory_space<hbm>>) dst(%arg12 : memref<16x128xf32, #tpu.memory_space<vmem>>)
    %broadcast_in_dim3A_292 = arith.constant 506 : i32
    %broadcast_in_dim3A_293 = vector.broadcast %broadcast_in_dim3A_292 : i32 to vector<16xi32>
    %gather3A_294 = tpu.vector_load_idx %arg8[%broadcast_in_dim3A_293] : memref<528xi32, #tpu.memory_space<vmem>>[vector<16xi32>], vector<16xi32>,
    %and3A_295 = arith.constant 127 : i32
    %and3A_296 = vector.broadcast %and3A_295 : i32 to vector<16xi32>
    %and3A_297 = arith.andi %gather3A_294, %and3A_296 : vector<16xi32>
    %gather3A_298 = tpu.vector_load_idx %arg12[%iota3A, %and3A_297] : memref<16x128xf32, #tpu.memory_space<vmem>>[vector<16xi32>, vector<16xi32>], vector<16xf32>,
    %shift_right_logical3A_299 = arith.constant 506 : i32
    %shift_right_logical3A_300 = arith.constant 3 : i32
    %shift_right_logical3A_301 = arith.shrui %shift_right_logical3A_299, %shift_right_logical3A_300 : i32
    %broadcast_in_dim3A_302 = vector.broadcast %shift_right_logical3A_301 : i32 to vector<16xi32>
    %add3A_303 = arith.constant 32 : i32
    %add3A_304 = vector.broadcast %add3A_303 : i32 to vector<16xi32>
    %add3A_305 = arith.addi %add3A_304, %iota3A : vector<16xi32>
    tpu.vector_store_idx %arg26[%broadcast_in_dim3A_302, %add3A_305], %gather3A_298 : memref<64x128xf32, #tpu.memory_space<vmem>>[vector<16xi32>, vector<16xi32>], vector<16xf32>,
    %dma_wait3A_306 = arith.constant 0 : i32
    %dma_wait3A_307 = arith.constant 0 : i32
    %dma_wait3A_308 = tpu.memref_slice %arg5[%dma_wait3A_306, %dma_wait3A_307] : memref<16x1000000xf32, #tpu.memory_space<hbm>> -> memref<16x128xf32, #tpu.memory_space<hbm>>
    %dma_wait3A_309 = arith.constant 0 : i32
    %dma_wait3A_310 = arith.constant 0 : i32
    %dma_wait3A_311 = tpu.memref_slice %arg5[%dma_wait3A_309, %dma_wait3A_310] : memref<16x1000000xf32, #tpu.memory_space<hbm>> -> memref<16x128xf32, #tpu.memory_space<hbm>>
    tpu.wait_dma2 semaphore(%arg38 : memref<!tpu.dma_semaphore, #tpu.memory_space<semaphore_mem>>) src(%dma_wait3A_311 : memref<16x128xf32, #tpu.memory_space<hbm>>) dst(%arg20 : memref<16x128xf32, #tpu.memory_space<vmem>>)
    %broadcast_in_dim3A_312 = arith.constant 506 : i32
    %broadcast_in_dim3A_313 = vector.broadcast %broadcast_in_dim3A_312 : i32 to vector<16xi32>
    %gather3A_314 = tpu.vector_load_idx %arg9[%broadcast_in_dim3A_313] : memref<528xi32, #tpu.memory_space<vmem>>[vector<16xi32>], vector<16xi32>,
    %and3A_315 = arith.constant 127 : i32
    %and3A_316 = vector.broadcast %and3A_315 : i32 to vector<16xi32>
    %and3A_317 = arith.andi %gather3A_314, %and3A_316 : vector<16xi32>
    %gather3A_318 = tpu.vector_load_idx %arg20[%iota3A, %and3A_317] : memref<16x128xf32, #tpu.memory_space<vmem>>[vector<16xi32>, vector<16xi32>], vector<16xf32>,
    %shift_right_logical3A_319 = arith.constant 506 : i32
    %shift_right_logical3A_320 = arith.constant 3 : i32
    %shift_right_logical3A_321 = arith.shrui %shift_right_logical3A_319, %shift_right_logical3A_320 : i32
    %broadcast_in_dim3A_322 = vector.broadcast %shift_right_logical3A_321 : i32 to vector<16xi32>
    %add3A_323 = arith.constant 32 : i32
    %add3A_324 = vector.broadcast %add3A_323 : i32 to vector<16xi32>
    %add3A_325 = arith.addi %add3A_324, %iota3A : vector<16xi32>
    tpu.vector_store_idx %arg27[%broadcast_in_dim3A_322, %add3A_325], %gather3A_318 : memref<64x128xf32, #tpu.memory_space<vmem>>[vector<16xi32>, vector<16xi32>], vector<16xf32>,
    %dma_wait3A_326 = arith.constant 0 : i32
    %dma_wait3A_327 = arith.constant 0 : i32
    %dma_wait3A_328 = tpu.memref_slice %arg4[%dma_wait3A_326, %dma_wait3A_327] : memref<16x1000000xf32, #tpu.memory_space<hbm>> -> memref<16x128xf32, #tpu.memory_space<hbm>>
    %dma_wait3A_329 = arith.constant 0 : i32
    %dma_wait3A_330 = arith.constant 0 : i32
    %dma_wait3A_331 = tpu.memref_slice %arg4[%dma_wait3A_329, %dma_wait3A_330] : memref<16x1000000xf32, #tpu.memory_space<hbm>> -> memref<16x128xf32, #tpu.memory_space<hbm>>
    tpu.wait_dma2 semaphore(%arg31 : memref<!tpu.dma_semaphore, #tpu.memory_space<semaphore_mem>>) src(%dma_wait3A_331 : memref<16x128xf32, #tpu.memory_space<hbm>>) dst(%arg13 : memref<16x128xf32, #tpu.memory_space<vmem>>)
    %broadcast_in_dim3A_332 = arith.constant 507 : i32
    %broadcast_in_dim3A_333 = vector.broadcast %broadcast_in_dim3A_332 : i32 to vector<16xi32>
    %gather3A_334 = tpu.vector_load_idx %arg8[%broadcast_in_dim3A_333] : memref<528xi32, #tpu.memory_space<vmem>>[vector<16xi32>], vector<16xi32>,
    %and3A_335 = arith.constant 127 : i32
    %and3A_336 = vector.broadcast %and3A_335 : i32 to vector<16xi32>
    %and3A_337 = arith.andi %gather3A_334, %and3A_336 : vector<16xi32>
    %gather3A_338 = tpu.vector_load_idx %arg13[%iota3A, %and3A_337] : memref<16x128xf32, #tpu.memory_space<vmem>>[vector<16xi32>, vector<16xi32>], vector<16xf32>,
    %shift_right_logical3A_339 = arith.constant 507 : i32
    %shift_right_logical3A_340 = arith.constant 3 : i32
    %shift_right_logical3A_341 = arith.shrui %shift_right_logical3A_339, %shift_right_logical3A_340 : i32
    %broadcast_in_dim3A_342 = vector.broadcast %shift_right_logical3A_341 : i32 to vector<16xi32>
    %add3A_343 = arith.constant 48 : i32
    %add3A_344 = vector.broadcast %add3A_343 : i32 to vector<16xi32>
    %add3A_345 = arith.addi %add3A_344, %iota3A : vector<16xi32>
    tpu.vector_store_idx %arg26[%broadcast_in_dim3A_342, %add3A_345], %gather3A_338 : memref<64x128xf32, #tpu.memory_space<vmem>>[vector<16xi32>, vector<16xi32>], vector<16xf32>,
    %dma_wait3A_346 = arith.constant 0 : i32
    %dma_wait3A_347 = arith.constant 0 : i32
    %dma_wait3A_348 = tpu.memref_slice %arg5[%dma_wait3A_346, %dma_wait3A_347] : memref<16x1000000xf32, #tpu.memory_space<hbm>> -> memref<16x128xf32, #tpu.memory_space<hbm>>
    %dma_wait3A_349 = arith.constant 0 : i32
    %dma_wait3A_350 = arith.constant 0 : i32
    %dma_wait3A_351 = tpu.memref_slice %arg5[%dma_wait3A_349, %dma_wait3A_350] : memref<16x1000000xf32, #tpu.memory_space<hbm>> -> memref<16x128xf32, #tpu.memory_space<hbm>>
    tpu.wait_dma2 semaphore(%arg39 : memref<!tpu.dma_semaphore, #tpu.memory_space<semaphore_mem>>) src(%dma_wait3A_351 : memref<16x128xf32, #tpu.memory_space<hbm>>) dst(%arg21 : memref<16x128xf32, #tpu.memory_space<vmem>>)
    %broadcast_in_dim3A_352 = arith.constant 507 : i32
    %broadcast_in_dim3A_353 = vector.broadcast %broadcast_in_dim3A_352 : i32 to vector<16xi32>
    %gather3A_354 = tpu.vector_load_idx %arg9[%broadcast_in_dim3A_353] : memref<528xi32, #tpu.memory_space<vmem>>[vector<16xi32>], vector<16xi32>,
    %and3A_355 = arith.constant 127 : i32
    %and3A_356 = vector.broadcast %and3A_355 : i32 to vector<16xi32>
    %and3A_357 = arith.andi %gather3A_354, %and3A_356 : vector<16xi32>
    %gather3A_358 = tpu.vector_load_idx %arg21[%iota3A, %and3A_357] : memref<16x128xf32, #tpu.memory_space<vmem>>[vector<16xi32>, vector<16xi32>], vector<16xf32>,
    %shift_right_logical3A_359 = arith.constant 507 : i32
    %shift_right_logical3A_360 = arith.constant 3 : i32
    %shift_right_logical3A_361 = arith.shrui %shift_right_logical3A_359, %shift_right_logical3A_360 : i32
    %broadcast_in_dim3A_362 = vector.broadcast %shift_right_logical3A_361 : i32 to vector<16xi32>
    %add3A_363 = arith.constant 48 : i32
    %add3A_364 = vector.broadcast %add3A_363 : i32 to vector<16xi32>
    %add3A_365 = arith.addi %add3A_364, %iota3A : vector<16xi32>
    tpu.vector_store_idx %arg27[%broadcast_in_dim3A_362, %add3A_365], %gather3A_358 : memref<64x128xf32, #tpu.memory_space<vmem>>[vector<16xi32>, vector<16xi32>], vector<16xf32>,
    %dma_wait3A_366 = arith.constant 0 : i32
    %dma_wait3A_367 = arith.constant 0 : i32
    %dma_wait3A_368 = tpu.memref_slice %arg4[%dma_wait3A_366, %dma_wait3A_367] : memref<16x1000000xf32, #tpu.memory_space<hbm>> -> memref<16x128xf32, #tpu.memory_space<hbm>>
    %dma_wait3A_369 = arith.constant 0 : i32
    %dma_wait3A_370 = arith.constant 0 : i32
    %dma_wait3A_371 = tpu.memref_slice %arg4[%dma_wait3A_369, %dma_wait3A_370] : memref<16x1000000xf32, #tpu.memory_space<hbm>> -> memref<16x128xf32, #tpu.memory_space<hbm>>
    tpu.wait_dma2 semaphore(%arg32 : memref<!tpu.dma_semaphore, #tpu.memory_space<semaphore_mem>>) src(%dma_wait3A_371 : memref<16x128xf32, #tpu.memory_space<hbm>>) dst(%arg14 : memref<16x128xf32, #tpu.memory_space<vmem>>)
    %broadcast_in_dim3A_372 = arith.constant 508 : i32
    %broadcast_in_dim3A_373 = vector.broadcast %broadcast_in_dim3A_372 : i32 to vector<16xi32>
    %gather3A_374 = tpu.vector_load_idx %arg8[%broadcast_in_dim3A_373] : memref<528xi32, #tpu.memory_space<vmem>>[vector<16xi32>], vector<16xi32>,
    %and3A_375 = arith.constant 127 : i32
    %and3A_376 = vector.broadcast %and3A_375 : i32 to vector<16xi32>
    %and3A_377 = arith.andi %gather3A_374, %and3A_376 : vector<16xi32>
    %gather3A_378 = tpu.vector_load_idx %arg14[%iota3A, %and3A_377] : memref<16x128xf32, #tpu.memory_space<vmem>>[vector<16xi32>, vector<16xi32>], vector<16xf32>,
    %shift_right_logical3A_379 = arith.constant 508 : i32
    %shift_right_logical3A_380 = arith.constant 3 : i32
    %shift_right_logical3A_381 = arith.shrui %shift_right_logical3A_379, %shift_right_logical3A_380 : i32
    %broadcast_in_dim3A_382 = vector.broadcast %shift_right_logical3A_381 : i32 to vector<16xi32>
    %add3A_383 = arith.constant 64 : i32
    %add3A_384 = vector.broadcast %add3A_383 : i32 to vector<16xi32>
    %add3A_385 = arith.addi %add3A_384, %iota3A : vector<16xi32>
    tpu.vector_store_idx %arg26[%broadcast_in_dim3A_382, %add3A_385], %gather3A_378 : memref<64x128xf32, #tpu.memory_space<vmem>>[vector<16xi32>, vector<16xi32>], vector<16xf32>,
    %dma_wait3A_386 = arith.constant 0 : i32
    %dma_wait3A_387 = arith.constant 0 : i32
    %dma_wait3A_388 = tpu.memref_slice %arg5[%dma_wait3A_386, %dma_wait3A_387] : memref<16x1000000xf32, #tpu.memory_space<hbm>> -> memref<16x128xf32, #tpu.memory_space<hbm>>
    %dma_wait3A_389 = arith.constant 0 : i32
    %dma_wait3A_390 = arith.constant 0 : i32
    %dma_wait3A_391 = tpu.memref_slice %arg5[%dma_wait3A_389, %dma_wait3A_390] : memref<16x1000000xf32, #tpu.memory_space<hbm>> -> memref<16x128xf32, #tpu.memory_space<hbm>>
    tpu.wait_dma2 semaphore(%arg40 : memref<!tpu.dma_semaphore, #tpu.memory_space<semaphore_mem>>) src(%dma_wait3A_391 : memref<16x128xf32, #tpu.memory_space<hbm>>) dst(%arg22 : memref<16x128xf32, #tpu.memory_space<vmem>>)
    %broadcast_in_dim3A_392 = arith.constant 508 : i32
    %broadcast_in_dim3A_393 = vector.broadcast %broadcast_in_dim3A_392 : i32 to vector<16xi32>
    %gather3A_394 = tpu.vector_load_idx %arg9[%broadcast_in_dim3A_393] : memref<528xi32, #tpu.memory_space<vmem>>[vector<16xi32>], vector<16xi32>,
    %and3A_395 = arith.constant 127 : i32
    %and3A_396 = vector.broadcast %and3A_395 : i32 to vector<16xi32>
    %and3A_397 = arith.andi %gather3A_394, %and3A_396 : vector<16xi32>
    %gather3A_398 = tpu.vector_load_idx %arg22[%iota3A, %and3A_397] : memref<16x128xf32, #tpu.memory_space<vmem>>[vector<16xi32>, vector<16xi32>], vector<16xf32>,
    %shift_right_logical3A_399 = arith.constant 508 : i32
    %shift_right_logical3A_400 = arith.constant 3 : i32
    %shift_right_logical3A_401 = arith.shrui %shift_right_logical3A_399, %shift_right_logical3A_400 : i32
    %broadcast_in_dim3A_402 = vector.broadcast %shift_right_logical3A_401 : i32 to vector<16xi32>
    %add3A_403 = arith.constant 64 : i32
    %add3A_404 = vector.broadcast %add3A_403 : i32 to vector<16xi32>
    %add3A_405 = arith.addi %add3A_404, %iota3A : vector<16xi32>
    tpu.vector_store_idx %arg27[%broadcast_in_dim3A_402, %add3A_405], %gather3A_398 : memref<64x128xf32, #tpu.memory_space<vmem>>[vector<16xi32>, vector<16xi32>], vector<16xf32>,
    %dma_wait3A_406 = arith.constant 0 : i32
    %dma_wait3A_407 = arith.constant 0 : i32
    %dma_wait3A_408 = tpu.memref_slice %arg4[%dma_wait3A_406, %dma_wait3A_407] : memref<16x1000000xf32, #tpu.memory_space<hbm>> -> memref<16x128xf32, #tpu.memory_space<hbm>>
    %dma_wait3A_409 = arith.constant 0 : i32
    %dma_wait3A_410 = arith.constant 0 : i32
    %dma_wait3A_411 = tpu.memref_slice %arg4[%dma_wait3A_409, %dma_wait3A_410] : memref<16x1000000xf32, #tpu.memory_space<hbm>> -> memref<16x128xf32, #tpu.memory_space<hbm>>
    tpu.wait_dma2 semaphore(%arg33 : memref<!tpu.dma_semaphore, #tpu.memory_space<semaphore_mem>>) src(%dma_wait3A_411 : memref<16x128xf32, #tpu.memory_space<hbm>>) dst(%arg15 : memref<16x128xf32, #tpu.memory_space<vmem>>)
    %broadcast_in_dim3A_412 = arith.constant 509 : i32
    %broadcast_in_dim3A_413 = vector.broadcast %broadcast_in_dim3A_412 : i32 to vector<16xi32>
    %gather3A_414 = tpu.vector_load_idx %arg8[%broadcast_in_dim3A_413] : memref<528xi32, #tpu.memory_space<vmem>>[vector<16xi32>], vector<16xi32>,
    %and3A_415 = arith.constant 127 : i32
    %and3A_416 = vector.broadcast %and3A_415 : i32 to vector<16xi32>
    %and3A_417 = arith.andi %gather3A_414, %and3A_416 : vector<16xi32>
    %gather3A_418 = tpu.vector_load_idx %arg15[%iota3A, %and3A_417] : memref<16x128xf32, #tpu.memory_space<vmem>>[vector<16xi32>, vector<16xi32>], vector<16xf32>,
    %shift_right_logical3A_419 = arith.constant 509 : i32
    %shift_right_logical3A_420 = arith.constant 3 : i32
    %shift_right_logical3A_421 = arith.shrui %shift_right_logical3A_419, %shift_right_logical3A_420 : i32
    %broadcast_in_dim3A_422 = vector.broadcast %shift_right_logical3A_421 : i32 to vector<16xi32>
    %add3A_423 = arith.constant 80 : i32
    %add3A_424 = vector.broadcast %add3A_423 : i32 to vector<16xi32>
    %add3A_425 = arith.addi %add3A_424, %iota3A : vector<16xi32>
    tpu.vector_store_idx %arg26[%broadcast_in_dim3A_422, %add3A_425], %gather3A_418 : memref<64x128xf32, #tpu.memory_space<vmem>>[vector<16xi32>, vector<16xi32>], vector<16xf32>,
    %dma_wait3A_426 = arith.constant 0 : i32
    %dma_wait3A_427 = arith.constant 0 : i32
    %dma_wait3A_428 = tpu.memref_slice %arg5[%dma_wait3A_426, %dma_wait3A_427] : memref<16x1000000xf32, #tpu.memory_space<hbm>> -> memref<16x128xf32, #tpu.memory_space<hbm>>
    %dma_wait3A_429 = arith.constant 0 : i32
    %dma_wait3A_430 = arith.constant 0 : i32
    %dma_wait3A_431 = tpu.memref_slice %arg5[%dma_wait3A_429, %dma_wait3A_430] : memref<16x1000000xf32, #tpu.memory_space<hbm>> -> memref<16x128xf32, #tpu.memory_space<hbm>>
    tpu.wait_dma2 semaphore(%arg41 : memref<!tpu.dma_semaphore, #tpu.memory_space<semaphore_mem>>) src(%dma_wait3A_431 : memref<16x128xf32, #tpu.memory_space<hbm>>) dst(%arg23 : memref<16x128xf32, #tpu.memory_space<vmem>>)
    %broadcast_in_dim3A_432 = arith.constant 509 : i32
    %broadcast_in_dim3A_433 = vector.broadcast %broadcast_in_dim3A_432 : i32 to vector<16xi32>
    %gather3A_434 = tpu.vector_load_idx %arg9[%broadcast_in_dim3A_433] : memref<528xi32, #tpu.memory_space<vmem>>[vector<16xi32>], vector<16xi32>,
    %and3A_435 = arith.constant 127 : i32
    %and3A_436 = vector.broadcast %and3A_435 : i32 to vector<16xi32>
    %and3A_437 = arith.andi %gather3A_434, %and3A_436 : vector<16xi32>
    %gather3A_438 = tpu.vector_load_idx %arg23[%iota3A, %and3A_437] : memref<16x128xf32, #tpu.memory_space<vmem>>[vector<16xi32>, vector<16xi32>], vector<16xf32>,
    %shift_right_logical3A_439 = arith.constant 509 : i32
    %shift_right_logical3A_440 = arith.constant 3 : i32
    %shift_right_logical3A_441 = arith.shrui %shift_right_logical3A_439, %shift_right_logical3A_440 : i32
    %broadcast_in_dim3A_442 = vector.broadcast %shift_right_logical3A_441 : i32 to vector<16xi32>
    %add3A_443 = arith.constant 80 : i32
    %add3A_444 = vector.broadcast %add3A_443 : i32 to vector<16xi32>
    %add3A_445 = arith.addi %add3A_444, %iota3A : vector<16xi32>
    tpu.vector_store_idx %arg27[%broadcast_in_dim3A_442, %add3A_445], %gather3A_438 : memref<64x128xf32, #tpu.memory_space<vmem>>[vector<16xi32>, vector<16xi32>], vector<16xf32>,
    %dma_wait3A_446 = arith.constant 0 : i32
    %dma_wait3A_447 = arith.constant 0 : i32
    %dma_wait3A_448 = tpu.memref_slice %arg4[%dma_wait3A_446, %dma_wait3A_447] : memref<16x1000000xf32, #tpu.memory_space<hbm>> -> memref<16x128xf32, #tpu.memory_space<hbm>>
    %dma_wait3A_449 = arith.constant 0 : i32
    %dma_wait3A_450 = arith.constant 0 : i32
    %dma_wait3A_451 = tpu.memref_slice %arg4[%dma_wait3A_449, %dma_wait3A_450] : memref<16x1000000xf32, #tpu.memory_space<hbm>> -> memref<16x128xf32, #tpu.memory_space<hbm>>
    tpu.wait_dma2 semaphore(%arg34 : memref<!tpu.dma_semaphore, #tpu.memory_space<semaphore_mem>>) src(%dma_wait3A_451 : memref<16x128xf32, #tpu.memory_space<hbm>>) dst(%arg16 : memref<16x128xf32, #tpu.memory_space<vmem>>)
    %broadcast_in_dim3A_452 = arith.constant 510 : i32
    %broadcast_in_dim3A_453 = vector.broadcast %broadcast_in_dim3A_452 : i32 to vector<16xi32>
    %gather3A_454 = tpu.vector_load_idx %arg8[%broadcast_in_dim3A_453] : memref<528xi32, #tpu.memory_space<vmem>>[vector<16xi32>], vector<16xi32>,
    %and3A_455 = arith.constant 127 : i32
    %and3A_456 = vector.broadcast %and3A_455 : i32 to vector<16xi32>
    %and3A_457 = arith.andi %gather3A_454, %and3A_456 : vector<16xi32>
    %gather3A_458 = tpu.vector_load_idx %arg16[%iota3A, %and3A_457] : memref<16x128xf32, #tpu.memory_space<vmem>>[vector<16xi32>, vector<16xi32>], vector<16xf32>,
    %shift_right_logical3A_459 = arith.constant 510 : i32
    %shift_right_logical3A_460 = arith.constant 3 : i32
    %shift_right_logical3A_461 = arith.shrui %shift_right_logical3A_459, %shift_right_logical3A_460 : i32
    %broadcast_in_dim3A_462 = vector.broadcast %shift_right_logical3A_461 : i32 to vector<16xi32>
    %add3A_463 = arith.constant 96 : i32
    %add3A_464 = vector.broadcast %add3A_463 : i32 to vector<16xi32>
    %add3A_465 = arith.addi %add3A_464, %iota3A : vector<16xi32>
    tpu.vector_store_idx %arg26[%broadcast_in_dim3A_462, %add3A_465], %gather3A_458 : memref<64x128xf32, #tpu.memory_space<vmem>>[vector<16xi32>, vector<16xi32>], vector<16xf32>,
    %dma_wait3A_466 = arith.constant 0 : i32
    %dma_wait3A_467 = arith.constant 0 : i32
    %dma_wait3A_468 = tpu.memref_slice %arg5[%dma_wait3A_466, %dma_wait3A_467] : memref<16x1000000xf32, #tpu.memory_space<hbm>> -> memref<16x128xf32, #tpu.memory_space<hbm>>
    %dma_wait3A_469 = arith.constant 0 : i32
    %dma_wait3A_470 = arith.constant 0 : i32
    %dma_wait3A_471 = tpu.memref_slice %arg5[%dma_wait3A_469, %dma_wait3A_470] : memref<16x1000000xf32, #tpu.memory_space<hbm>> -> memref<16x128xf32, #tpu.memory_space<hbm>>
    tpu.wait_dma2 semaphore(%arg42 : memref<!tpu.dma_semaphore, #tpu.memory_space<semaphore_mem>>) src(%dma_wait3A_471 : memref<16x128xf32, #tpu.memory_space<hbm>>) dst(%arg24 : memref<16x128xf32, #tpu.memory_space<vmem>>)
    %broadcast_in_dim3A_472 = arith.constant 510 : i32
    %broadcast_in_dim3A_473 = vector.broadcast %broadcast_in_dim3A_472 : i32 to vector<16xi32>
    %gather3A_474 = tpu.vector_load_idx %arg9[%broadcast_in_dim3A_473] : memref<528xi32, #tpu.memory_space<vmem>>[vector<16xi32>], vector<16xi32>,
    %and3A_475 = arith.constant 127 : i32
    %and3A_476 = vector.broadcast %and3A_475 : i32 to vector<16xi32>
    %and3A_477 = arith.andi %gather3A_474, %and3A_476 : vector<16xi32>
    %gather3A_478 = tpu.vector_load_idx %arg24[%iota3A, %and3A_477] : memref<16x128xf32, #tpu.memory_space<vmem>>[vector<16xi32>, vector<16xi32>], vector<16xf32>,
    %shift_right_logical3A_479 = arith.constant 510 : i32
    %shift_right_logical3A_480 = arith.constant 3 : i32
    %shift_right_logical3A_481 = arith.shrui %shift_right_logical3A_479, %shift_right_logical3A_480 : i32
    %broadcast_in_dim3A_482 = vector.broadcast %shift_right_logical3A_481 : i32 to vector<16xi32>
    %add3A_483 = arith.constant 96 : i32
    %add3A_484 = vector.broadcast %add3A_483 : i32 to vector<16xi32>
    %add3A_485 = arith.addi %add3A_484, %iota3A : vector<16xi32>
    tpu.vector_store_idx %arg27[%broadcast_in_dim3A_482, %add3A_485], %gather3A_478 : memref<64x128xf32, #tpu.memory_space<vmem>>[vector<16xi32>, vector<16xi32>], vector<16xf32>,
    %dma_wait3A_486 = arith.constant 0 : i32
    %dma_wait3A_487 = arith.constant 0 : i32
    %dma_wait3A_488 = tpu.memref_slice %arg4[%dma_wait3A_486, %dma_wait3A_487] : memref<16x1000000xf32, #tpu.memory_space<hbm>> -> memref<16x128xf32, #tpu.memory_space<hbm>>
    %dma_wait3A_489 = arith.constant 0 : i32
    %dma_wait3A_490 = arith.constant 0 : i32
    %dma_wait3A_491 = tpu.memref_slice %arg4[%dma_wait3A_489, %dma_wait3A_490] : memref<16x1000000xf32, #tpu.memory_space<hbm>> -> memref<16x128xf32, #tpu.memory_space<hbm>>
    tpu.wait_dma2 semaphore(%arg35 : memref<!tpu.dma_semaphore, #tpu.memory_space<semaphore_mem>>) src(%dma_wait3A_491 : memref<16x128xf32, #tpu.memory_space<hbm>>) dst(%arg17 : memref<16x128xf32, #tpu.memory_space<vmem>>)
    %broadcast_in_dim3A_492 = arith.constant 511 : i32
    %broadcast_in_dim3A_493 = vector.broadcast %broadcast_in_dim3A_492 : i32 to vector<16xi32>
    %gather3A_494 = tpu.vector_load_idx %arg8[%broadcast_in_dim3A_493] : memref<528xi32, #tpu.memory_space<vmem>>[vector<16xi32>], vector<16xi32>,
    %and3A_495 = arith.constant 127 : i32
    %and3A_496 = vector.broadcast %and3A_495 : i32 to vector<16xi32>
    %and3A_497 = arith.andi %gather3A_494, %and3A_496 : vector<16xi32>
    %gather3A_498 = tpu.vector_load_idx %arg17[%iota3A, %and3A_497] : memref<16x128xf32, #tpu.memory_space<vmem>>[vector<16xi32>, vector<16xi32>], vector<16xf32>,
    %shift_right_logical3A_499 = arith.constant 511 : i32
    %shift_right_logical3A_500 = arith.constant 3 : i32
    %shift_right_logical3A_501 = arith.shrui %shift_right_logical3A_499, %shift_right_logical3A_500 : i32
    %broadcast_in_dim3A_502 = vector.broadcast %shift_right_logical3A_501 : i32 to vector<16xi32>
    %add3A_503 = arith.constant 112 : i32
    %add3A_504 = vector.broadcast %add3A_503 : i32 to vector<16xi32>
    %add3A_505 = arith.addi %add3A_504, %iota3A : vector<16xi32>
    tpu.vector_store_idx %arg26[%broadcast_in_dim3A_502, %add3A_505], %gather3A_498 : memref<64x128xf32, #tpu.memory_space<vmem>>[vector<16xi32>, vector<16xi32>], vector<16xf32>,
    %dma_wait3A_506 = arith.constant 0 : i32
    %dma_wait3A_507 = arith.constant 0 : i32
    %dma_wait3A_508 = tpu.memref_slice %arg5[%dma_wait3A_506, %dma_wait3A_507] : memref<16x1000000xf32, #tpu.memory_space<hbm>> -> memref<16x128xf32, #tpu.memory_space<hbm>>
    %dma_wait3A_509 = arith.constant 0 : i32
    %dma_wait3A_510 = arith.constant 0 : i32
    %dma_wait3A_511 = tpu.memref_slice %arg5[%dma_wait3A_509, %dma_wait3A_510] : memref<16x1000000xf32, #tpu.memory_space<hbm>> -> memref<16x128xf32, #tpu.memory_space<hbm>>
    tpu.wait_dma2 semaphore(%arg43 : memref<!tpu.dma_semaphore, #tpu.memory_space<semaphore_mem>>) src(%dma_wait3A_511 : memref<16x128xf32, #tpu.memory_space<hbm>>) dst(%arg25 : memref<16x128xf32, #tpu.memory_space<vmem>>)
    %broadcast_in_dim3A_512 = arith.constant 511 : i32
    %broadcast_in_dim3A_513 = vector.broadcast %broadcast_in_dim3A_512 : i32 to vector<16xi32>
    %gather3A_514 = tpu.vector_load_idx %arg9[%broadcast_in_dim3A_513] : memref<528xi32, #tpu.memory_space<vmem>>[vector<16xi32>], vector<16xi32>,
    %and3A_515 = arith.constant 127 : i32
    %and3A_516 = vector.broadcast %and3A_515 : i32 to vector<16xi32>
    %and3A_517 = arith.andi %gather3A_514, %and3A_516 : vector<16xi32>
    %gather3A_518 = tpu.vector_load_idx %arg25[%iota3A, %and3A_517] : memref<16x128xf32, #tpu.memory_space<vmem>>[vector<16xi32>, vector<16xi32>], vector<16xf32>,
    %shift_right_logical3A_519 = arith.constant 511 : i32
    %shift_right_logical3A_520 = arith.constant 3 : i32
    %shift_right_logical3A_521 = arith.shrui %shift_right_logical3A_519, %shift_right_logical3A_520 : i32
    %broadcast_in_dim3A_522 = vector.broadcast %shift_right_logical3A_521 : i32 to vector<16xi32>
    %add3A_523 = arith.constant 112 : i32
    %add3A_524 = vector.broadcast %add3A_523 : i32 to vector<16xi32>
    %add3A_525 = arith.addi %add3A_524, %iota3A : vector<16xi32>
    tpu.vector_store_idx %arg27[%broadcast_in_dim3A_522, %add3A_525], %gather3A_518 : memref<64x128xf32, #tpu.memory_space<vmem>>[vector<16xi32>, vector<16xi32>], vector<16xf32>,
    %mul3A_526 = arith.constant 64 : i32
    %mul3A_527 = arith.muli %add3A, %mul3A_526 : i32
    "tpu.region"() ({
      %run_scoped3A = tpu.sem_alloc : memref<!tpu.dma_semaphore, #tpu.memory_space<semaphore_mem>>
      %dma_start3A_530 = arith.constant 0 : i32
      %dma_start3A_531 = tpu.memref_slice %arg6[%mul3A_527, %dma_start3A_530] : memref<2048x128xf32, #tpu.memory_space<hbm>> -> memref<64x128xf32, #tpu.memory_space<hbm>>
      %dma_start3A_532 = arith.constant 0 : i32
      %dma_start3A_533 = tpu.memref_slice %arg6[%mul3A_527, %dma_start3A_532] : memref<2048x128xf32, #tpu.memory_space<hbm>> -> memref<64x128xf32, #tpu.memory_space<hbm>>
      tpu.enqueue_dma source(%arg26 : memref<64x128xf32, #tpu.memory_space<vmem>>) target(%dma_start3A_533 : memref<64x128xf32, #tpu.memory_space<hbm>>) target_semaphore(%run_scoped3A : memref<!tpu.dma_semaphore, #tpu.memory_space<semaphore_mem>>)
      %dma_wait3A_534 = arith.constant 0 : i32
      %dma_wait3A_535 = tpu.memref_slice %arg6[%mul3A_527, %dma_wait3A_534] : memref<2048x128xf32, #tpu.memory_space<hbm>> -> memref<64x128xf32, #tpu.memory_space<hbm>>
      %dma_wait3A_536 = arith.constant 0 : i32
      %dma_wait3A_537 = tpu.memref_slice %arg6[%mul3A_527, %dma_wait3A_536] : memref<2048x128xf32, #tpu.memory_space<hbm>> -> memref<64x128xf32, #tpu.memory_space<hbm>>
      tpu.wait_dma2 semaphore(%run_scoped3A : memref<!tpu.dma_semaphore, #tpu.memory_space<semaphore_mem>>) src(%arg26 : memref<64x128xf32, #tpu.memory_space<vmem>>) dst(%dma_wait3A_537 : memref<64x128xf32, #tpu.memory_space<hbm>>)
      tpu.yield
    }) : () -> ()
    %mul3A_528 = arith.constant 64 : i32
    %mul3A_529 = arith.muli %add3A, %mul3A_528 : i32
    "tpu.region"() ({
      %run_scoped3A = tpu.sem_alloc : memref<!tpu.dma_semaphore, #tpu.memory_space<semaphore_mem>>
      %dma_start3A_530 = arith.constant 0 : i32
      %dma_start3A_531 = tpu.memref_slice %arg7[%mul3A_529, %dma_start3A_530] : memref<2048x128xf32, #tpu.memory_space<hbm>> -> memref<64x128xf32, #tpu.memory_space<hbm>>
      %dma_start3A_532 = arith.constant 0 : i32
      %dma_start3A_533 = tpu.memref_slice %arg7[%mul3A_529, %dma_start3A_532] : memref<2048x128xf32, #tpu.memory_space<hbm>> -> memref<64x128xf32, #tpu.memory_space<hbm>>
      tpu.enqueue_dma source(%arg27 : memref<64x128xf32, #tpu.memory_space<vmem>>) target(%dma_start3A_533 : memref<64x128xf32, #tpu.memory_space<hbm>>) target_semaphore(%run_scoped3A : memref<!tpu.dma_semaphore, #tpu.memory_space<semaphore_mem>>)
      %dma_wait3A_534 = arith.constant 0 : i32
      %dma_wait3A_535 = tpu.memref_slice %arg7[%mul3A_529, %dma_wait3A_534] : memref<2048x128xf32, #tpu.memory_space<hbm>> -> memref<64x128xf32, #tpu.memory_space<hbm>>
      %dma_wait3A_536 = arith.constant 0 : i32
      %dma_wait3A_537 = tpu.memref_slice %arg7[%mul3A_529, %dma_wait3A_536] : memref<2048x128xf32, #tpu.memory_space<hbm>> -> memref<64x128xf32, #tpu.memory_space<hbm>>
      tpu.wait_dma2 semaphore(%run_scoped3A : memref<!tpu.dma_semaphore, #tpu.memory_space<semaphore_mem>>) src(%arg27 : memref<64x128xf32, #tpu.memory_space<vmem>>) dst(%dma_wait3A_537 : memref<64x128xf32, #tpu.memory_space<hbm>>)
      tpu.yield
    }) : () -> ()
    return
  }
}

module attributes {stable_mosaic.version = 14 : i64} {
  func.func @_mlp_body(%arg0: memref<2048x128xf32, #tpu.memory_space<vmem>>, %arg1: memref<2048x128xf32, #tpu.memory_space<vmem>>, %arg2: memref<128x128xf32, #tpu.memory_space<vmem>>, %arg3: memref<128x128xf32, #tpu.memory_space<vmem>>, %arg4: memref<1x128xf32, #tpu.memory_space<vmem>>, %arg5: memref<128x8xf32, #tpu.memory_space<vmem>>, %arg6: memref<2048x8xf32, #tpu.memory_space<vmem>>) attributes {dimension_semantics = [], scalar_prefetch = 0 : i64, scratch_operands = 0 : i64, tpu.core_type = #tpu.core_type<tc>} {
    %get3A = arith.constant 0 : index
    %get3A_0 = arith.constant 0 : index
    %get3A_1 = vector.load %arg0[%get3A, %get3A_0] : memref<2048x128xf32, #tpu.memory_space<vmem>>, vector<2048x128xf32>
    %get3A_2 = arith.constant 0 : index
    %get3A_3 = arith.constant 0 : index
    %get3A_4 = vector.load %arg2[%get3A_2, %get3A_3] : memref<128x128xf32, #tpu.memory_space<vmem>>, vector<128x128xf32>
    %dot_general3A = arith.constant dense<0.000000e+00> : vector<2048x128xf32>
    %dot_general3A_5 = tpu.matmul %get3A_1, %get3A_4, %dot_general3A {dimension_numbers = #tpu.dot_dimension_numbers<[1], [0], [0], [1], [0, 0, 1, 1], [], []>, transpose_lhs_hint = false} : vector<2048x128xf32>, vector<128x128xf32>, vector<2048x128xf32> -> vector<2048x128xf32>
    %get3A_6 = arith.constant 0 : index
    %get3A_7 = arith.constant 0 : index
    %get3A_8 = vector.load %arg1[%get3A_6, %get3A_7] : memref<2048x128xf32, #tpu.memory_space<vmem>>, vector<2048x128xf32>
    %get3A_9 = arith.constant 0 : index
    %get3A_10 = arith.constant 0 : index
    %get3A_11 = vector.load %arg3[%get3A_9, %get3A_10] : memref<128x128xf32, #tpu.memory_space<vmem>>, vector<128x128xf32>
    %dot_general3A_12 = arith.constant dense<0.000000e+00> : vector<2048x128xf32>
    %dot_general3A_13 = tpu.matmul %get3A_8, %get3A_11, %dot_general3A_12 {dimension_numbers = #tpu.dot_dimension_numbers<[1], [0], [0], [1], [0, 0, 1, 1], [], []>, transpose_lhs_hint = false} : vector<2048x128xf32>, vector<128x128xf32>, vector<2048x128xf32> -> vector<2048x128xf32>
    %add3A = arith.addf %dot_general3A_5, %dot_general3A_13 : vector<2048x128xf32>
    %get3A_14 = arith.constant 0 : index
    %get3A_15 = arith.constant 0 : index
    %get3A_16 = vector.load %arg4[%get3A_14, %get3A_15] : memref<1x128xf32, #tpu.memory_space<vmem>>, vector<1x128xf32>
    %add3A_17 = vector.broadcast %get3A_16 : vector<1x128xf32> to vector<2048x128xf32>
    %add3A_18 = arith.addf %add3A, %add3A_17 : vector<2048x128xf32>
    %max3A = arith.constant 0.000000e+00 : f32
    %max3A_19 = vector.broadcast %max3A : f32 to vector<2048x128xf32>
    %max3A_20 = arith.maximumf %add3A_18, %max3A_19 : vector<2048x128xf32>
    %get3A_21 = arith.constant 0 : index
    %get3A_22 = arith.constant 0 : index
    %get3A_23 = vector.load %arg5[%get3A_21, %get3A_22] : memref<128x8xf32, #tpu.memory_space<vmem>>, vector<128x8xf32>
    %dot_general3A_24 = arith.constant dense<0.000000e+00> : vector<2048x8xf32>
    %dot_general3A_25 = tpu.matmul %max3A_20, %get3A_23, %dot_general3A_24 {dimension_numbers = #tpu.dot_dimension_numbers<[1], [0], [0], [1], [0, 0, 1, 1], [], []>, transpose_lhs_hint = false} : vector<2048x128xf32>, vector<128x8xf32>, vector<2048x8xf32> -> vector<2048x8xf32>
    %swap3A = arith.constant 0 : index
    %swap3A_26 = arith.constant 0 : index
    %swap3A_27 = vector.load %arg6[%swap3A, %swap3A_26] : memref<2048x8xf32, #tpu.memory_space<vmem>>, vector<2048x8xf32>
    tpu.vector_store %arg6[%swap3A, %swap3A_26], %dot_general3A_25 {strides = array<i32>} : memref<2048x8xf32, #tpu.memory_space<vmem>>, vector<2048x8xf32>,
    return
  }
}

</mosaic_0001>

<sc_bundles>
// kernel: kernel.4.cloned.1.call-start
scs
__scs_entry_jumppad:
0x0: {  	(pc) =	sbr.rel $0x88, $3  }
0x1: {  	(tag) =	ssettag $0x0;
	lr =	simm.s32 $0x1  }
0x2: {  	[smem:$0x3F9B] =	sst lr;
	_ =	strace $0xD0000000  }
0x3: {  	_ = 	snop  }
0x4: {  	_ = 	snop  }
0x5: {  	_ = 	snop  }
0x6: {  	_ = 	snop  }
0x7: {  	_ = 	snop  }
__scs_overlays_trampoline_lowered:
0x8: {  	[smem:$0x3FAA] =	sst s0  }
0x9: {  	[smem:$0x3FAB] =	sst s1  }
0xa: {  	[smem:$0x3FAC] =	sst s2  }
0xb: {  	[smem:$0x3FAD] =	sst s3  }
0xc: {  	[smem:$0x3FAE] =	sst s4  }
0xd: {  	[smem:$0x3FAF] =	sst s5  }
0xe: {  	[smem:$0x3FB0] =	sst s6  }
0xf: {  	[smem:$0x3FB1] =	sst s7  }
0x10: {  	[smem:$0x3FB2] =	sst s8  }
0x11: {  	[smem:$0x3FB3] =	sst s9;
	s0 =	simm.s32 @!p0 $0x0  }
0x12: {  	s1 =	sld [smem:$0x3F99];
	s0 =	simm.s32 @p0 $0x1  }
0x13: {  	[smem:$0x3FB4] =	sst s0;
	s0 =	simm.s32 @!p1 $0x0  }
0x14: {  	s2 =	sld [smem:$0x3F98];
	s0 =	simm.s32 @p1 $0x1  }
0x15: {  	[smem:$0x3FB5] =	sst s0;
	s0 =	simm.s32 @!p2 $0x0  }
0x16: {  	s3 =	sld [smem:$0x3FDB];
	s0 =	simm.s32 @p2 $0x1  }
0x17: {  	s4 =	simm.s32 $0x1BF5;
	[smem:$0x3FB7] =	sst s0  }
0x18: {  	s0 =	sld [smem:$0x3F9A];
	_ =	swait.ge [sflag:s4], $0x0  }
0x19: {  	s7 =	sld [smem:$0x3F9B]  }
0x1a: {  	s8 =	sadd.s32 $0xFFFFE003, lr  }
0x1b: {  	s9 =	sadd.s32 $0xFFFFFEF7, lr;
	s5 =	simm.s32 $0xFFFFFFFF;
	p2 =	slt.u32 s8, $0xFFFFF086  }
0x1c: {  	p1 =	slt.u32 s9, $0xF7A;
	s5 =	simm.s32 @!p2 $0x0  }
0x1d: {  	s5 =	simm.s32 @p1 $0x1;
	p0 =	seq.s32 s7, s2  }
0x1e: {  	s7 =	smul.u32 @!p0 $0xF7A, s2;
	p2 =	seq.s32 @!p0 s5, $0x0  }
0x1f: {  	s9 =	smul.u32 $0xF7A, s1;
	s8 =	simm.s32 @!p0 $0x1BF5;
	p2 =	por !p2, p0  }
0x20: {  	[sflag:s8] =	ssyncset.s32 @!p0 $0xFFFFF086;
	s6 =	sadd.s32 @!p0 s3, s7;
	s7 =	simm.s32 @!p0 $0x108  }
0x21: {  	s3 =	sadd.s32 s3, s9;
	s6 =	sadd.s32 @!p0 $0x88, s6;
	s7 =	simm.s32 @p2 $0x1082  }
0x22: {  	[simem:s7], [sflag:s8] =	dma.local @!p0 [hbm:s6], $0xF7A  }
0x23: {  	s9 =	sor.u32 $0xD0000000, s2;
	s6 =	simm.s32 $0x108;
	_ =	swait.ge @!p0 [sflag:s8], $0x0  }
0x24: {  	s3 =	sadd.s32 $0x88, s3;
	s6 =	simm.s32 @!p1 $0x1082;
	[sflag:s4] =	ssyncset.s32 $0xFFFFF086  }
0x25: {  	[simem:s6], [sflag:s4] =	dma.local [hbm:s3], $0xF7A  }
0x26: {  	[smem:$0x3F9B] =	sst s1;
	(tag) =	ssettag s2;
	_ =	strace s9  }
0x27: {  	s1 =	sld [smem:$0x3FAB]  }
0x28: {  	s2 =	sld [smem:$0x3FAC]  }
0x29: {  	s4 =	sld [smem:$0x3FAE]  }
0x2a: {  	p0 =	seq.s32 s5, $0x0;
	s5 =	sld [smem:$0x3FAF]  }
0x2b: {  	s6 =	sld [smem:$0x3FB0]  }
0x2c: {  	s7 =	sld [smem:$0x3FB1]  }
0x2d: {  	s3 =	simm.s32 $0x108;
	s8 =	sld [smem:$0x3FB2]  }
0x2e: {  	s3 =	simm.s32 @!p0 $0x1082;
	s9 =	sld [smem:$0x3FB3]  }
0x2f: {  	lr =	sadd.s32 s0, s3;
	s0 =	sld [smem:$0x3FAA]  }
0x30: {  	s3 =	sld [smem:$0x3FAD]  }
0x31: {  	[smem:$0x3FB6] =	sst s10  }
0x32: {  	s10 =	sld [smem:$0x3FB4];
	_ =	sdelay $0x3  }
0x33: {  	p0 =	seq.s32 s10, $0x1;
	s10 =	sld [smem:$0x3FB6];
	_ =	sdelay $0x3  }
0x34: {  	[smem:$0x3FB6] =	sst s10  }
0x35: {  	s10 =	sld [smem:$0x3FB5];
	_ =	sdelay $0x3  }
0x36: {  	p1 =	seq.s32 s10, $0x1;
	s10 =	sld [smem:$0x3FB6];
	_ =	sdelay $0x3  }
0x37: {  	[smem:$0x3FB6] =	sst s10  }
0x38: {  	s10 =	sld [smem:$0x3FB7]  }
0x39: {  	_ = 	snop;
	(pc) =	sbr.ind lr, $3  }
0x3a: {  	_ = 	snop  }
0x3b: {  	_ = 	snop  }
0x3c: {  	p2 =	seq.s32 s10, $0x1;
	s10 =	sld [smem:$0x3FB6]  }
0x3d: {  	_ =	shalt  }
0x3e: {  	_ =	shalt  }
0x3f: {  	_ =	shalt  }
0x40: {  	_ =	shalt  }
0x41: {  	_ =	shalt  }
0x42: {  	_ =	shalt  }
0x43: {  	_ =	shalt  }
0x44: {  	_ =	shalt  }
0x45: {  	_ =	shalt  }
0x46: {  	_ =	shalt  }
0x47: {  	_ =	shalt  }
0x48: {  	_ =	shalt  }
0x49: {  	_ =	shalt  }
0x4a: {  	_ =	shalt  }
0x4b: {  	_ =	shalt  }
0x4c: {  	_ =	shalt  }
0x4d: {  	_ =	shalt  }
0x4e: {  	_ =	shalt  }
0x4f: {  	_ =	shalt  }
0x50: {  	_ =	shalt  }
0x51: {  	_ =	shalt  }
0x52: {  	_ =	shalt  }
0x53: {  	_ =	shalt  }
0x54: {  	_ =	shalt  }
0x55: {  	_ =	shalt  }
0x56: {  	_ =	shalt  }
0x57: {  	_ =	shalt  }
0x58: {  	_ =	shalt  }
0x59: {  	_ =	shalt  }
0x5a: {  	_ =	shalt  }
0x5b: {  	_ =	shalt  }
0x5c: {  	_ =	shalt  }
0x5d: {  	_ =	shalt  }
0x5e: {  	_ =	shalt  }
0x5f: {  	_ =	shalt  }
0x60: {  	_ =	shalt  }
0x61: {  	_ =	shalt  }
0x62: {  	_ =	shalt  }
0x63: {  	_ =	shalt  }
0x64: {  	_ =	shalt  }
0x65: {  	_ =	shalt  }
0x66: {  	_ =	shalt  }
0x67: {  	_ =	shalt  }
0x68: {  	_ =	shalt  }
0x69: {  	_ =	shalt  }
0x6a: {  	_ =	shalt  }
0x6b: {  	_ =	shalt  }
0x6c: {  	_ =	shalt  }
0x6d: {  	_ =	shalt  }
0x6e: {  	_ =	shalt  }
0x6f: {  	_ =	shalt  }
0x70: {  	_ =	shalt  }
0x71: {  	_ =	shalt  }
0x72: {  	_ =	shalt  }
0x73: {  	_ =	shalt  }
0x74: {  	_ =	shalt  }
0x75: {  	_ =	shalt  }
0x76: {  	_ =	shalt  }
0x77: {  	_ =	shalt  }
0x78: {  	_ =	shalt  }
0x79: {  	_ =	shalt  }
0x7a: {  	_ =	shalt  }
0x7b: {  	_ =	shalt  }
0x7c: {  	_ =	shalt  }
0x7d: {  	_ =	shalt  }
0x7e: {  	_ =	shalt  }
0x7f: {  	_ =	shalt  }
0x80: {  	_ =	shalt  }
0x81: {  	_ =	shalt  }
0x82: {  	_ =	shalt  }
0x83: {  	_ =	shalt  }
0x84: {  	_ =	shalt  }
0x85: {  	_ =	shalt  }
0x86: {  	_ =	shalt  }
0x87: {  	_ =	shalt  }
.Lfunc_end0:
.L_simem_size_0:
called_computation_lowered:
.L_overlay_start_0:
0x88: {  	s2 =	sld [smem:$0x3FD9]  }
0x89: {  	s3 =	sld [smem:$0x3FFE];
	_ =	sdelay $0x1  }
0x8a: {  	s1 =	srdreg.scid  }
0x8b: {  	s0 =	sand.u32 $0x1, s1  }
0x8c: {  	s17 =	sshll.u32 s0, $0xA;
	s2 =	sadd.s32 s3, s2  }
0x8d: {  	s2 =	sadd.s32 s2, s17  }
0x8e: {  	[smem:$0x3FC2] =	sst s2  }
0x8f: {  	_ = 	snop  }
0x90: {  	s2 =	sld [smem:$0x3FC8]  }
0x91: {  	s18 =	sld [smem:$0x3FC7]  }
0x92: {  	s4 =	sld [smem:$0x3FD0];
	(tm) =	ssettm $0x1  }
0x93: {  	s5 =	sld [smem:$0x3FFB];
	_ =	sdelay $0x3  }
0x94: {  	_ =	strace s5  }
0x95: {  	s5 =	sld [smem:$0x3FFC];
	_ =	sdelay $0x3  }
0x96: {  	_ =	strace s5  }
0x97: {  	s5 =	sld [smem:$0x3FFD];
	_ =	sdelay $0x3  }
0x98: {  	_ =	strace s5  }
0x99: {  	_ =	strace $0x8FFFFFFF  }
0x9a: {  	s19 =	sld [smem:$0x3FDB];
	_ =	sdelay $0x1  }
0x9b: {  	s6 =	simm.s32 $_scs_section_size  }
0x9c: {  	s7 =	simm.s32 $_size__tile_overlayer_lowered;
	s8 =	simm.s32 $_tile_overlayer_lowered  }
0x9d: {  	s22 =	simm.s32 $0x1BFF;
	s21 =	sshll.u32 s8, $0x1;
	s5 =	sadd.s32 s6, s19  }
0x9e: {  	s9 =	simm.s32 $0x0;
	s20 =	sshll.u32 s7, $0x1;
	s7 =	sadd.s32 s21, s5  }
0x9f: {  	[timem:s9], [sflag:s22] =	dma.local [hbm:s7], s20  }
0xa0: {  	_ =	swait.ge [sflag:s22], s20  }
0xa1: {  	s6 =	ssub.s32 $0x0, s20;
	[sflag:s22] =	ssyncset.done $0x0  }
0xa2: {  	[sflag:s22] =	ssyncadd.s32 s6;
	_ =	sdelay $0x1  }
0xa3: {  	s23 =	simm.s32 $0x1B8B  }
0xa4: {  	_ =	swait.ge [sflag:s23], $0x1  }
0xa5: {  	[sflag:s23] =	ssyncset.done $0x0  }
0xa6: {  	s25 =	simm.s32 $0x1B8E;
	s24 =	sld [smem:$0x3FFE];
	[sflag:s23] =	ssyncadd.s32 $0xFFFFFFFF  }
0xa7: {  	s26 =	simm.s32 $execute0_lowered;
	[smem:$0x3FD2] =	sst s25  }
0xa8: {  	s7 =	sshll.u32 s26, $0x1;
	_ =	strace $0x80000046;
	[dreg:$0x1] =	wrdreg $0xFFFFFFFF  }
0xa9: {  	s28 =	simm.s32 $_size_execute0_lowered;
	s5 =	sadd.s32 s5, s7;
	[dreg:$0x0] =	wrdreg $0x0  }
0xaa: {  	s7 =	sshll.u32 s28, $0x1;
	[dreg:$0x2] =	wrdreg s5  }
0xab: {  	[dreg:$0x3] =	wrdreg s7  }
0xac: {  	[dreg:$0x4] =	wrdreg $0xC0  }
0xad: {  	_ =	task [dreg:s9], $0x5FFFF  }
0xae: {  	[dreg:$0x1] =	wrdreg $0xFFFFFFFF  }
0xaf: {  	[dreg:$0x0] =	wrdreg $0x60  }
0xb0: {  	[dreg:$0x2] =	wrdreg s24  }
0xb1: {  	[dreg:$0x3] =	wrdreg s4  }
0xb2: {  	[dreg:$0x4] =	wrdreg s2  }
0xb3: {  	[dreg:$0x5] =	wrdreg s18  }
0xb4: {  	[dreg:$0x6] =	wrdreg $0x9  }
0xb5: {  	_ =	task.clear_ibuf [dreg:s9], $0x7FFFF;
	_ =	strace $0x90000046  }
0xb6: {  	s29 =	simm.s32 $0x9;
	_ =	strace $0x80000048  }
0xb7: {  	_ =	swait.ge [sflag:s29], $0x1  }
0xb8: {  	[sflag:s29] =	ssyncadd.s32 $0xFFFFFFFF  }
0xb9: {  	_ =	strace $0x90000048  }
0xba: {  	_ =	sfence  }
0xbb: {  	s30 =	sld [smem:$0x0];
	_ =	sdelay $0x2  }
0xbc: {  	s31 =	sshll.u32 s1, $0xD;
	s1 =	sshrl.u32 s1, $0x2  }
0xbd: {  	s3 =	sand.u32 $0x4000, s31;
	s1 =	sadd.s32 s1, s30  }
0xbe: {  	s0 =	sor.u32 s3, s0;
	s1 =	sshll.u32 s1, $0x11  }
0xbf: {  	s0 =	sor.u32 s1, s0  }
0xc0: {  	s0 =	sadd.s32 $0x8F2B, s0  }
0xc1: {  	[sflag:s0] =	ssyncadd.remote.s32 $0x1  }
0xc2: {  	_ =	sfence.sel $0xFFFF  }
0xc3: {  	[dreg:$0x0] =	wrdreg $0xFFFFFFFF;
	(pc) =	sbr.abs _section_cstart, $3  }
0xc4: {  	[dreg:$0x1] =	wrdreg $0xFFFFFFFF  }
0xc5: {  	_ =	task.clear_ibuf [dreg:s9], $0x2FFFF;
	_ =	strace $0x9FFFFFFF  }
0xc6: {  	(tm) =	ssettm $0x7FFFFFFF  }
0xc7: {  	_ =	shalt  }
tec
execute0_lowered:
.L_overlay_start_1:
0x0: {  	(tag) =	ssettag $0x1  }
0x1: {  	s0 =	rddreg [dreg:$0x0]  }
0x2: {  	s2 =	rddreg [dreg:$0x1]  }
0x3: {  	s1 =	rddreg [dreg:$0x2]  }
0x4: {  	s3 =	rddreg [dreg:$0x3];
	s4 =	simm.s32 $0x0  }
0x5: {  	s5 =	srdreg.scid;
	s6 =	stileid.u32;
	s11 =	simm.s32 $0x280  }
0x6: {  	s12 =	simm.s32 $0x400;
	s13 =	simm.s32 $0x7A1400;
	s30 =	simm.s32 $0x500  }
0x7: {  	s31 =	simm.s32 $0x4500;
	s9 =	simm.s32 $0x1D00;
	s10 =	simm.s32 $0x5D00  }
0x8: {  	s14 =	simm.s32 $0x2500;
	s15 =	simm.s32 $0x6500;
	s16 =	simm.s32 $0x2D00  }
0x9: {  	s17 =	simm.s32 $0x6D00;
	s18 =	simm.s32 $0x3500;
	s19 =	simm.s32 $0x7500  }
0xa: {  	s20 =	simm.s32 $0x3D00;
	s29 =	simm.s32 $0x7D00;
	s21 =	simm.s32 $0x1  }
0xb: {  	[smem:$0x7FF] =	sst s4;
	s5 =	sand.u32 $0x1, s5;
	s6 =	sshll.u32 s6, $0x1  }
0xc: {  	v0 =	vlaneseq.u32;
	s22 =	simm.s32 $0x0;
	_ =	strace $0x80000047;
	s6 =	sor.u32 s5, s6  }
0xd: {  	v9 =	vimm.s32 $0x1F8;
	v11 =	vimm.s32 $0x1F9;
	v13 =	vimm.s32 $0x1FA;
	s5 =	ssub.s32 $0x2, s5;
	s7 =	sshll.u32 s6, $0x6;
	s6 =	sshll.u32 s6, $0xA  }
0xe: {  	v15 =	vimm.s32 $0x1FB;
	v17 =	vimm.s32 $0x1FC;
	v19 =	vimm.s32 $0x1FD;
	s24 =	sshrl.u32 s5, $0x1;
	s8 =	sadd.s32 s7, s0;
	s0 =	sadd.s32 s6, s0  }
0xf: {  	v21 =	vimm.s32 $0x1FE;
	v23 =	vimm.s32 $0x1FF;
	v1 =	vmul.u32 $0x80, v0;
	s5 =	ssub.s32 s5, s24;
	s2 =	sadd.s32 s2, s7;
	s24 =	simm.s32 $0x11  }
0x10: {  	v2 =	vor.u32 $0x10, v0;
	v3 =	vor.u32 $0x20, v0;
	v4 =	vor.u32 $0x30, v0;
	s6 =	simm.s32 $0x4D00;
	s25 =	sadd.s32 $0x1800, s8;
	[dreg:$0x6] =	wrdreg s2  }
0x11: {  	v5 =	vor.u32 $0x40, v0;
	v6 =	vor.u32 $0x50, v0;
	v7 =	vor.u32 $0x60, v0;
	s7 =	simm.s32 $0x1500;
	s26 =	sadd.s32 $0x2000, s0;
	[dreg:$0x5] =	wrdreg s25  }
0x12: {  	v8 =	vor.u32 $0x70, v0;
	v10 =	vor.u32 $0x1F80, v0;
	v12 =	vor.u32 $0x1F90, v0;
	s0 =	sadd.s32 $0xA000, s0;
	s28 =	smax.u32 s5, $0x1;
	[dreg:$0x7] =	wrdreg s26  }
0x13: {  	v14 =	vor.u32 $0x1FA0, v0;
	v16 =	vor.u32 $0x1FB0, v0;
	v18 =	vor.u32 $0x1FC0, v0;
	s2 =	simm.s32 $0xD00;
	s8 =	simm.s32 $0x5500;
	[dreg:$0x8] =	wrdreg s0  }
0x14: {  	v20 =	vor.u32 $0x1FD0, v0;
	v22 =	vor.u32 $0x1FE0, v0;
	v24 =	vor.u32 $0x1FF0, v0;
	s5 =	simm.s32 $0xA500;
	[dreg:$0x9] =	wrdreg s28;
	s0 =	simm.s32 $0x8500  }
.LBB2_1:
0x15: {  	[dreg:$0xa] =	wrdreg s22  }
0x16: {  	s23 =	rddreg [dreg:$0x5]  }
0x17: {  	[tilespmem:s4], [sflag:$0x11] =	stream.linear.gather [hbm4b:s23+s4], $0x200, $0x38;
	[tilespmem:$0xC500] =	vst v63  }
0x18: {  	_ =	swait.ge [sflag:s24], $0x200  }
0x19: {  	[sflag:s24] =	ssyncset.done $0x0  }
0x1a: {  	s26 =	rddreg [dreg:$0x6];
	[sflag:s24] =	ssyncadd.s32 $0xFFFFFE00  }
0x1b: {  	[tilespmem:s11], [sflag:$0x11] =	stream.linear.gather [hbm4b:s26+s4], $0x200, $0x38;
	[tilespmem:$0xC500] =	vst v63  }
0x1c: {  	_ =	swait.ge [sflag:s24], $0x200  }
0x1d: {  	[sflag:s24] =	ssyncset.done $0x0  }
0x1e: {  	[sflag:s24] =	ssyncadd.s32 $0xFFFFFE00  }
0x1f: {  	v25 =	vld [tilespmem:$0x0];
	_ =	sdelay $0x4  }
0x20: {  	(v2sf) =	vpush v25, $0x0;
	_ =	sdelay $0xe  }
0x21: {  	s28 =	spop (v2sf)  }
0x22: {  	s23 =	sand.u32 $0xFFFFF80, s28  }
0x23: {  	s23 =	sadd.s32 s1, s23  }
0x24: {  	[tilespmem:s30], [sflag:$0x1] =	stream.strided.gather [hbm4b:s23+s12], $0x800, s13, s12, $0x38;
	[tilespmem:$0xC500] =	vst v63  }
0x25: {  	v25 =	vld [tilespmem:$0x280];
	_ =	sdelay $0x4  }
0x26: {  	(v2sf) =	vpush v25, $0x0;
	_ =	sdelay $0xe  }
0x27: {  	s30 =	spop (v2sf)  }
0x28: {  	s23 =	sand.u32 $0xFFFFF80, s30  }
0x29: {  	s23 =	sadd.s32 s3, s23  }
0x2a: {  	[tilespmem:s31], [sflag:$0x9] =	stream.strided.gather [hbm4b:s23+s12], $0x800, s13, s12, $0x38;
	[tilespmem:$0xC500] =	vst v63  }
0x2b: {  	v25 =	vld [tilespmem:$0x1];
	_ =	sdelay $0x4  }
0x2c: {  	(v2sf) =	vpush v25, $0x0;
	_ =	sdelay $0xe  }
0x2d: {  	s31 =	spop (v2sf)  }
0x2e: {  	s23 =	sand.u32 $0xFFFFF80, s31  }
0x2f: {  	s23 =	sadd.s32 s1, s23  }
0x30: {  	[tilespmem:s2], [sflag:$0x2] =	stream.strided.gather [hbm4b:s23+s12], $0x800, s13, s12, $0x38;
	[tilespmem:$0xC500] =	vst v63  }
0x31: {  	v25 =	vld [tilespmem:$0x281];
	_ =	sdelay $0x4  }
0x32: {  	(v2sf) =	vpush v25, $0x0;
	_ =	sdelay $0xe  }
0x33: {  	s2 =	spop (v2sf)  }
0x34: {  	s23 =	sand.u32 $0xFFFFF80, s2  }
0x35: {  	s23 =	sadd.s32 s3, s23  }
0x36: {  	[tilespmem:s6], [sflag:$0xA] =	stream.strided.gather [hbm4b:s23+s12], $0x800, s13, s12, $0x38;
	[tilespmem:$0xC500] =	vst v63  }
0x37: {  	v25 =	vld [tilespmem:$0x2];
	_ =	sdelay $0x4  }
0x38: {  	(v2sf) =	vpush v25, $0x0;
	_ =	sdelay $0xe  }
0x39: {  	s6 =	spop (v2sf)  }
0x3a: {  	s23 =	sand.u32 $0xFFFFF80, s6  }
0x3b: {  	s23 =	sadd.s32 s1, s23  }
0x3c: {  	[tilespmem:s7], [sflag:$0x3] =	stream.strided.gather [hbm4b:s23+s12], $0x800, s13, s12, $0x38;
	[tilespmem:$0xC500] =	vst v63  }
0x3d: {  	v25 =	vld [tilespmem:$0x282];
	_ =	sdelay $0x4  }
0x3e: {  	(v2sf) =	vpush v25, $0x0;
	_ =	sdelay $0xe  }
0x3f: {  	s7 =	spop (v2sf)  }
0x40: {  	s23 =	sand.u32 $0xFFFFF80, s7  }
0x41: {  	s23 =	sadd.s32 s3, s23  }
0x42: {  	[tilespmem:s8], [sflag:$0xB] =	stream.strided.gather [hbm4b:s23+s12], $0x800, s13, s12, $0x38;
	[tilespmem:$0xC500] =	vst v63  }
0x43: {  	v25 =	vld [tilespmem:$0x3];
	_ =	sdelay $0x4  }
0x44: {  	(v2sf) =	vpush v25, $0x0;
	_ =	sdelay $0xe  }
0x45: {  	s8 =	spop (v2sf)  }
0x46: {  	s23 =	sand.u32 $0xFFFFF80, s8  }
0x47: {  	s23 =	sadd.s32 s1, s23  }
0x48: {  	[tilespmem:s9], [sflag:$0x4] =	stream.strided.gather [hbm4b:s23+s12], $0x800, s13, s12, $0x38;
	[tilespmem:$0xC500] =	vst v63  }
0x49: {  	v25 =	vld [tilespmem:$0x283];
	_ =	sdelay $0x4  }
0x4a: {  	(v2sf) =	vpush v25, $0x0;
	_ =	sdelay $0xe  }
0x4b: {  	s9 =	spop (v2sf)  }
0x4c: {  	s23 =	sand.u32 $0xFFFFF80, s9  }
0x4d: {  	s23 =	sadd.s32 s3, s23  }
0x4e: {  	[tilespmem:s10], [sflag:$0xC] =	stream.strided.gather [hbm4b:s23+s12], $0x800, s13, s12, $0x38;
	[tilespmem:$0xC500] =	vst v63  }
0x4f: {  	v25 =	vld [tilespmem:$0x4];
	_ =	sdelay $0x4  }
0x50: {  	(v2sf) =	vpush v25, $0x0;
	_ =	sdelay $0xe  }
0x51: {  	s10 =	spop (v2sf)  }
0x52: {  	s23 =	sand.u32 $0xFFFFF80, s10  }
0x53: {  	s23 =	sadd.s32 s1, s23  }
0x54: {  	[tilespmem:s14], [sflag:$0x5] =	stream.strided.gather [hbm4b:s23+s12], $0x800, s13, s12, $0x38;
	[tilespmem:$0xC500] =	vst v63  }
0x55: {  	v25 =	vld [tilespmem:$0x284];
	_ =	sdelay $0x4  }
0x56: {  	(v2sf) =	vpush v25, $0x0;
	_ =	sdelay $0xe  }
0x57: {  	s22 =	spop (v2sf)  }
0x58: {  	s23 =	sand.u32 $0xFFFFF80, s22  }
0x59: {  	s23 =	sadd.s32 s3, s23  }
0x5a: {  	[tilespmem:s15], [sflag:$0xD] =	stream.strided.gather [hbm4b:s23+s12], $0x800, s13, s12, $0x38;
	[tilespmem:$0xC500] =	vst v63  }
0x5b: {  	v25 =	vld [tilespmem:$0x5];
	_ =	sdelay $0x4  }
0x5c: {  	(v2sf) =	vpush v25, $0x0;
	_ =	sdelay $0xe  }
0x5d: {  	s24 =	spop (v2sf)  }
0x5e: {  	s23 =	sand.u32 $0xFFFFF80, s24  }
0x5f: {  	s23 =	sadd.s32 s1, s23  }
0x60: {  	[tilespmem:s16], [sflag:$0x6] =	stream.strided.gather [hbm4b:s23+s12], $0x800, s13, s12, $0x38;
	[tilespmem:$0xC500] =	vst v63  }
0x61: {  	v25 =	vld [tilespmem:$0x285];
	_ =	sdelay $0x4  }
0x62: {  	(v2sf) =	vpush v25, $0x0;
	_ =	sdelay $0xe  }
0x63: {  	s25 =	spop (v2sf)  }
0x64: {  	s23 =	sand.u32 $0xFFFFF80, s25  }
0x65: {  	s23 =	sadd.s32 s3, s23  }
0x66: {  	[tilespmem:s17], [sflag:$0xE] =	stream.strided.gather [hbm4b:s23+s12], $0x800, s13, s12, $0x38;
	[tilespmem:$0xC500] =	vst v63  }
0x67: {  	v25 =	vld [tilespmem:$0x6];
	_ =	sdelay $0x4  }
0x68: {  	(v2sf) =	vpush v25, $0x0;
	_ =	sdelay $0xe  }
0x69: {  	s26 =	spop (v2sf)  }
0x6a: {  	s23 =	sand.u32 $0xFFFFF80, s26  }
0x6b: {  	s23 =	sadd.s32 s1, s23  }
0x6c: {  	[tilespmem:s18], [sflag:$0x7] =	stream.strided.gather [hbm4b:s23+s12], $0x800, s13, s12, $0x38;
	[tilespmem:$0xC500] =	vst v63  }
0x6d: {  	v25 =	vld [tilespmem:$0x286];
	_ =	sdelay $0x4  }
0x6e: {  	(v2sf) =	vpush v25, $0x0;
	_ =	sdelay $0xe  }
0x6f: {  	s28 =	spop (v2sf)  }
0x70: {  	s23 =	sand.u32 $0xFFFFF80, s28  }
0x71: {  	s23 =	sadd.s32 s3, s23  }
0x72: {  	[tilespmem:s19], [sflag:$0xF] =	stream.strided.gather [hbm4b:s23+s12], $0x800, s13, s12, $0x38;
	[tilespmem:$0xC500] =	vst v63  }
0x73: {  	v25 =	vld [tilespmem:$0x7];
	_ =	sdelay $0x4  }
0x74: {  	(v2sf) =	vpush v25, $0x0;
	_ =	sdelay $0xe  }
0x75: {  	s30 =	spop (v2sf)  }
0x76: {  	s23 =	sand.u32 $0xFFFFF80, s30  }
0x77: {  	s23 =	sadd.s32 s1, s23  }
0x78: {  	[tilespmem:s20], [sflag:$0x8] =	stream.strided.gather [hbm4b:s23+s12], $0x800, s13, s12, $0x38;
	[tilespmem:$0xC500] =	vst v63  }
0x79: {  	v25 =	vld [tilespmem:$0x287];
	_ =	sdelay $0x4  }
0x7a: {  	(v2sf) =	vpush v25, $0x0;
	_ =	sdelay $0xe  }
0x7b: {  	s31 =	spop (v2sf)  }
0x7c: {  	s23 =	sand.u32 $0xFFFFF80, s31  }
0x7d: {  	s22 =	simm.s32 $0x9;
	s24 =	simm.s32 $0xF;
	s23 =	sadd.s32 s3, s23  }
0x7e: {  	[tilespmem:s29], [sflag:$0x10] =	stream.strided.gather [hbm4b:s23+s12], $0x800, s13, s12, $0x38;
	[tilespmem:$0xC500] =	vst v63  }
0x7f: {  	s25 =	simm.s32 $0x7;
	s26 =	simm.s32 $0x0;
	s23 =	simm.s32 $0x28F  }
.LBB2_2:
0x80: {  	s28 =	sadd.s32 $0xFFFFFFF9, s25  }
0x81: {  	v25 =	vmov s28  }
0x82: {  	v25 =	vand.u32 $0xFFFFFFF8, v25  }
0x83: {  	v25 =	vbroadcast v25, $0x0;
	_ =	sdelay $0x2  }
0x84: {  	_ =	swait.ge [sflag:s21], $0x800  }
0x85: {  	[sflag:s21] =	ssyncset.done $0x0  }
0x86: {  	[sflag:s21] =	ssyncadd.s32 $0xFFFFF800  }
0x87: {  	v26 =	vld.idx.msk [tilespmem:v25+s4+$0x0], $0xffff;
	_ =	sdelay $0x4  }
0x88: {  	v26 =	vand.u32 $0x7F, v26  }
0x89: {  	v26 =	vor.u32 v1, v26;
	_ =	sdelay $0x3  }
0x8a: {  	s31 =	simm.s32 $0x500;
	s28 =	sshll.u32 s26, $0x7  }
0x8b: {  	v27 =	vor.u32 s28, v0;
	v26 =	vld.idx.msk [tilespmem:v26+s31+$0x0], $0xffff;
	_ =	sdelay $0x4  }
0x8c: {  	[tilespmem:v27+s0+$0x0] =	vst.idx.msk $0xffff, v26  }
0x8d: {  	v26 =	vld [tilespmem:s24+$0xFFFFFFF9];
	_ =	sdelay $0x4  }
0x8e: {  	(v2sf) =	vpush v26, $0x0;
	_ =	sdelay $0xe  }
0x8f: {  	s29 =	spop (v2sf)  }
0x90: {  	s29 =	sand.u32 $0xFFFFF80, s29  }
0x91: {  	s29 =	sadd.s32 s1, s29  }
0x92: {  	[tilespmem:s31], [sflag:$0x1] =	stream.strided.gather [hbm4b:s29+s12], $0x800, s13, s12, $0x38;
	[tilespmem:$0xC500] =	vst v63  }
0x93: {  	_ =	swait.ge [sflag:s22], $0x800  }
0x94: {  	[sflag:s22] =	ssyncset.done $0x0  }
0x95: {  	[sflag:s22] =	ssyncadd.s32 $0xFFFFF800  }
0x96: {  	v25 =	vld.idx.msk [tilespmem:v25+s11+$0x0], $0xffff;
	_ =	sdelay $0x4  }
0x97: {  	v25 =	vand.u32 $0x7F, v25  }
0x98: {  	v25 =	vor.u32 v1, v25;
	_ =	sdelay $0x3  }
0x99: {  	s2 =	simm.s32 $0x4500  }
0x9a: {  	v25 =	vld.idx.msk [tilespmem:v25+s2+$0x0], $0xffff;
	_ =	sdelay $0x4  }
0x9b: {  	[tilespmem:v27+s5+$0x0] =	vst.idx.msk $0xffff, v25  }
0x9c: {  	v25 =	vld [tilespmem:s23+$0xFFFFFFF9];
	_ =	sdelay $0x4  }
0x9d: {  	(v2sf) =	vpush v25, $0x0;
	_ =	sdelay $0xc  }
0x9e: {  	s29 =	sadd.s32 $0xFFFFFFFA, s25  }
0x9f: {  	v25 =	vmov s29  }
0xa0: {  	v25 =	vand.u32 $0xFFFFFFF9, v25;
	s29 =	spop (v2sf)  }
0xa1: {  	v25 =	vbroadcast v25, $0x0;
	s29 =	sand.u32 $0xFFFFF80, s29  }
0xa2: {  	s6 =	simm.s32 $0x2;
	s29 =	sadd.s32 s3, s29  }
0xa3: {  	[tilespmem:s2], [sflag:$0x9] =	stream.strided.gather [hbm4b:s29+s12], $0x800, s13, s12, $0x38;
	[tilespmem:$0xC500] =	vst v63  }
0xa4: {  	_ =	swait.ge [sflag:s6], $0x800  }
0xa5: {  	[sflag:s6] =	ssyncset.done $0x0  }
0xa6: {  	[sflag:s6] =	ssyncadd.s32 $0xFFFFF800  }
0xa7: {  	v26 =	vld.idx.msk [tilespmem:v25+s4+$0x0], $0xffff;
	_ =	sdelay $0x4  }
0xa8: {  	v26 =	vand.u32 $0x7F, v26  }
0xa9: {  	v26 =	vor.u32 v1, v26;
	_ =	sdelay $0x3  }
0xaa: {  	s6 =	simm.s32 $0xD00  }
0xab: {  	v27 =	vor.u32 s28, v2;
	v26 =	vld.idx.msk [tilespmem:v26+s6+$0x0], $0xffff;
	_ =	sdelay $0x4  }
0xac: {  	[tilespmem:v27+s0+$0x0] =	vst.idx.msk $0xffff, v26  }
0xad: {  	v26 =	vld [tilespmem:s24+$0xFFFFFFFA];
	_ =	sdelay $0x4  }
0xae: {  	(v2sf) =	vpush v26, $0x0;
	_ =	sdelay $0xe  }
0xaf: {  	s29 =	spop (v2sf)  }
0xb0: {  	s29 =	sand.u32 $0xFFFFF80, s29  }
0xb1: {  	s7 =	simm.s32 $0xA;
	s29 =	sadd.s32 s1, s29  }
0xb2: {  	[tilespmem:s6], [sflag:$0x2] =	stream.strided.gather [hbm4b:s29+s12], $0x800, s13, s12, $0x38;
	[tilespmem:$0xC500] =	vst v63  }
0xb3: {  	_ =	swait.ge [sflag:s7], $0x800  }
0xb4: {  	[sflag:s7] =	ssyncset.done $0x0  }
0xb5: {  	[sflag:s7] =	ssyncadd.s32 $0xFFFFF800  }
0xb6: {  	v25 =	vld.idx.msk [tilespmem:v25+s11+$0x0], $0xffff;
	_ =	sdelay $0x4  }
0xb7: {  	v25 =	vand.u32 $0x7F, v25  }
0xb8: {  	v25 =	vor.u32 v1, v25;
	_ =	sdelay $0x3  }
0xb9: {  	s7 =	simm.s32 $0x4D00  }
0xba: {  	v25 =	vld.idx.msk [tilespmem:v25+s7+$0x0], $0xffff;
	_ =	sdelay $0x4  }
0xbb: {  	[tilespmem:v27+s5+$0x0] =	vst.idx.msk $0xffff, v25  }
0xbc: {  	v25 =	vld [tilespmem:s23+$0xFFFFFFFA];
	_ =	sdelay $0x4  }
0xbd: {  	(v2sf) =	vpush v25, $0x0;
	_ =	sdelay $0xc  }
0xbe: {  	s29 =	sadd.s32 $0xFFFFFFFB, s25  }
0xbf: {  	v25 =	vmov s29  }
0xc0: {  	v25 =	vand.u32 $0xFFFFFFFA, v25;
	s29 =	spop (v2sf)  }
0xc1: {  	v25 =	vbroadcast v25, $0x0;
	s29 =	sand.u32 $0xFFFFF80, s29  }
0xc2: {  	s8 =	simm.s32 $0x3;
	s29 =	sadd.s32 s3, s29  }
0xc3: {  	[tilespmem:s7], [sflag:$0xA] =	stream.strided.gather [hbm4b:s29+s12], $0x800, s13, s12, $0x38;
	[tilespmem:$0xC500] =	vst v63  }
0xc4: {  	_ =	swait.ge [sflag:s8], $0x800  }
0xc5: {  	[sflag:s8] =	ssyncset.done $0x0  }
0xc6: {  	[sflag:s8] =	ssyncadd.s32 $0xFFFFF800  }
0xc7: {  	v26 =	vld.idx.msk [tilespmem:v25+s4+$0x0], $0xffff;
	_ =	sdelay $0x4  }
0xc8: {  	v26 =	vand.u32 $0x7F, v26  }
0xc9: {  	v26 =	vor.u32 v1, v26;
	_ =	sdelay $0x3  }
0xca: {  	s8 =	simm.s32 $0x1500  }
0xcb: {  	v27 =	vor.u32 s28, v3;
	v26 =	vld.idx.msk [tilespmem:v26+s8+$0x0], $0xffff;
	_ =	sdelay $0x4  }
0xcc: {  	[tilespmem:v27+s0+$0x0] =	vst.idx.msk $0xffff, v26  }
0xcd: {  	v26 =	vld [tilespmem:s24+$0xFFFFFFFB];
	_ =	sdelay $0x4  }
0xce: {  	(v2sf) =	vpush v26, $0x0;
	_ =	sdelay $0xe  }
0xcf: {  	s29 =	spop (v2sf)  }
0xd0: {  	s29 =	sand.u32 $0xFFFFF80, s29  }
0xd1: {  	s9 =	simm.s32 $0xB;
	s29 =	sadd.s32 s1, s29  }
0xd2: {  	[tilespmem:s8], [sflag:$0x3] =	stream.strided.gather [hbm4b:s29+s12], $0x800, s13, s12, $0x38;
	[tilespmem:$0xC500] =	vst v63  }
0xd3: {  	_ =	swait.ge [sflag:s9], $0x800  }
0xd4: {  	[sflag:s9] =	ssyncset.done $0x0  }
0xd5: {  	[sflag:s9] =	ssyncadd.s32 $0xFFFFF800  }
0xd6: {  	v25 =	vld.idx.msk [tilespmem:v25+s11+$0x0], $0xffff;
	_ =	sdelay $0x4  }
0xd7: {  	v25 =	vand.u32 $0x7F, v25  }
0xd8: {  	v25 =	vor.u32 v1, v25;
	_ =	sdelay $0x3  }
0xd9: {  	s9 =	simm.s32 $0x5500  }
0xda: {  	v25 =	vld.idx.msk [tilespmem:v25+s9+$0x0], $0xffff;
	_ =	sdelay $0x4  }
0xdb: {  	[tilespmem:v27+s5+$0x0] =	vst.idx.msk $0xffff, v25  }
0xdc: {  	v25 =	vld [tilespmem:s23+$0xFFFFFFFB];
	_ =	sdelay $0x4  }
0xdd: {  	(v2sf) =	vpush v25, $0x0;
	_ =	sdelay $0xc  }
0xde: {  	s29 =	sadd.s32 $0xFFFFFFFC, s25  }
0xdf: {  	v25 =	vmov s29  }
0xe0: {  	v25 =	vand.u32 $0xFFFFFFFB, v25;
	s29 =	spop (v2sf)  }
0xe1: {  	v25 =	vbroadcast v25, $0x0;
	s29 =	sand.u32 $0xFFFFF80, s29  }
0xe2: {  	s10 =	simm.s32 $0x4;
	s29 =	sadd.s32 s3, s29  }
0xe3: {  	[tilespmem:s9], [sflag:$0xB] =	stream.strided.gather [hbm4b:s29+s12], $0x800, s13, s12, $0x38;
	[tilespmem:$0xC500] =	vst v63  }
0xe4: {  	_ =	swait.ge [sflag:s10], $0x800  }
0xe5: {  	[sflag:s10] =	ssyncset.done $0x0  }
0xe6: {  	[sflag:s10] =	ssyncadd.s32 $0xFFFFF800  }
0xe7: {  	v26 =	vld.idx.msk [tilespmem:v25+s4+$0x0], $0xffff;
	_ =	sdelay $0x4  }
0xe8: {  	v26 =	vand.u32 $0x7F, v26  }
0xe9: {  	v26 =	vor.u32 v1, v26;
	_ =	sdelay $0x3  }
0xea: {  	s10 =	simm.s32 $0x1D00  }
0xeb: {  	v27 =	vor.u32 s28, v4;
	v26 =	vld.idx.msk [tilespmem:v26+s10+$0x0], $0xffff;
	_ =	sdelay $0x4  }
0xec: {  	[tilespmem:v27+s0+$0x0] =	vst.idx.msk $0xffff, v26  }
0xed: {  	v26 =	vld [tilespmem:s24+$0xFFFFFFFC];
	_ =	sdelay $0x4  }
0xee: {  	(v2sf) =	vpush v26, $0x0;
	_ =	sdelay $0xe  }
0xef: {  	s29 =	spop (v2sf)  }
0xf0: {  	s29 =	sand.u32 $0xFFFFF80, s29  }
0xf1: {  	s14 =	simm.s32 $0xC;
	s29 =	sadd.s32 s1, s29  }
0xf2: {  	[tilespmem:s10], [sflag:$0x4] =	stream.strided.gather [hbm4b:s29+s12], $0x800, s13, s12, $0x38;
	[tilespmem:$0xC500] =	vst v63  }
0xf3: {  	_ =	swait.ge [sflag:s14], $0x800  }
0xf4: {  	[sflag:s14] =	ssyncset.done $0x0  }
0xf5: {  	[sflag:s14] =	ssyncadd.s32 $0xFFFFF800  }
0xf6: {  	v25 =	vld.idx.msk [tilespmem:v25+s11+$0x0], $0xffff;
	_ =	sdelay $0x4  }
0xf7: {  	v25 =	vand.u32 $0x7F, v25  }
0xf8: {  	v25 =	vor.u32 v1, v25;
	_ =	sdelay $0x3  }
0xf9: {  	s14 =	simm.s32 $0x5D00  }
0xfa: {  	v25 =	vld.idx.msk [tilespmem:v25+s14+$0x0], $0xffff;
	_ =	sdelay $0x4  }
0xfb: {  	[tilespmem:v27+s5+$0x0] =	vst.idx.msk $0xffff, v25  }
0xfc: {  	v25 =	vld [tilespmem:s23+$0xFFFFFFFC];
	_ =	sdelay $0x4  }
0xfd: {  	(v2sf) =	vpush v25, $0x0;
	_ =	sdelay $0xc  }
0xfe: {  	s29 =	sadd.s32 $0xFFFFFFFD, s25  }
0xff: {  	v25 =	vmov s29  }
0x100: {  	v25 =	vand.u32 $0xFFFFFFFC, v25;
	s29 =	spop (v2sf)  }
0x101: {  	v25 =	vbroadcast v25, $0x0;
	s29 =	sand.u32 $0xFFFFF80, s29  }
0x102: {  	s15 =	simm.s32 $0x5;
	s29 =	sadd.s32 s3, s29  }
0x103: {  	[tilespmem:s14], [sflag:$0xC] =	stream.strided.gather [hbm4b:s29+s12], $0x800, s13, s12, $0x38;
	[tilespmem:$0xC500] =	vst v63  }
0x104: {  	_ =	swait.ge [sflag:s15], $0x800  }
0x105: {  	[sflag:s15] =	ssyncset.done $0x0  }
0x106: {  	[sflag:s15] =	ssyncadd.s32 $0xFFFFF800  }
0x107: {  	v26 =	vld.idx.msk [tilespmem:v25+s4+$0x0], $0xffff;
	_ =	sdelay $0x4  }
0x108: {  	v26 =	vand.u32 $0x7F, v26  }
0x109: {  	v26 =	vor.u32 v1, v26;
	_ =	sdelay $0x3  }
0x10a: {  	s15 =	simm.s32 $0x2500  }
0x10b: {  	v27 =	vor.u32 s28, v5;
	v26 =	vld.idx.msk [tilespmem:v26+s15+$0x0], $0xffff;
	_ =	sdelay $0x4  }
0x10c: {  	[tilespmem:v27+s0+$0x0] =	vst.idx.msk $0xffff, v26  }
0x10d: {  	v26 =	vld [tilespmem:s24+$0xFFFFFFFD];
	_ =	sdelay $0x4  }
0x10e: {  	(v2sf) =	vpush v26, $0x0;
	_ =	sdelay $0xe  }
0x10f: {  	s29 =	spop (v2sf)  }
0x110: {  	s29 =	sand.u32 $0xFFFFF80, s29  }
0x111: {  	s16 =	simm.s32 $0xD;
	s29 =	sadd.s32 s1, s29  }
0x112: {  	[tilespmem:s15], [sflag:$0x5] =	stream.strided.gather [hbm4b:s29+s12], $0x800, s13, s12, $0x38;
	[tilespmem:$0xC500] =	vst v63  }
0x113: {  	_ =	swait.ge [sflag:s16], $0x800  }
0x114: {  	[sflag:s16] =	ssyncset.done $0x0  }
0x115: {  	[sflag:s16] =	ssyncadd.s32 $0xFFFFF800  }
0x116: {  	v25 =	vld.idx.msk [tilespmem:v25+s11+$0x0], $0xffff;
	_ =	sdelay $0x4  }
0x117: {  	v25 =	vand.u32 $0x7F, v25  }
0x118: {  	v25 =	vor.u32 v1, v25;
	_ =	sdelay $0x3  }
0x119: {  	s16 =	simm.s32 $0x6500  }
0x11a: {  	v25 =	vld.idx.msk [tilespmem:v25+s16+$0x0], $0xffff;
	_ =	sdelay $0x4  }
0x11b: {  	[tilespmem:v27+s5+$0x0] =	vst.idx.msk $0xffff, v25  }
0x11c: {  	v25 =	vld [tilespmem:s23+$0xFFFFFFFD];
	_ =	sdelay $0x4  }
0x11d: {  	(v2sf) =	vpush v25, $0x0;
	_ =	sdelay $0xc  }
0x11e: {  	s29 =	sadd.s32 $0xFFFFFFFE, s25  }
0x11f: {  	v25 =	vmov s29  }
0x120: {  	v25 =	vand.u32 $0xFFFFFFFD, v25;
	s29 =	spop (v2sf)  }
0x121: {  	v25 =	vbroadcast v25, $0x0;
	s29 =	sand.u32 $0xFFFFF80, s29  }
0x122: {  	s17 =	simm.s32 $0x6;
	s29 =	sadd.s32 s3, s29  }
0x123: {  	[tilespmem:s16], [sflag:$0xD] =	stream.strided.gather [hbm4b:s29+s12], $0x800, s13, s12, $0x38;
	[tilespmem:$0xC500] =	vst v63  }
0x124: {  	_ =	swait.ge [sflag:s17], $0x800  }
0x125: {  	[sflag:s17] =	ssyncset.done $0x0  }
0x126: {  	[sflag:s17] =	ssyncadd.s32 $0xFFFFF800  }
0x127: {  	v26 =	vld.idx.msk [tilespmem:v25+s4+$0x0], $0xffff;
	_ =	sdelay $0x4  }
0x128: {  	v26 =	vand.u32 $0x7F, v26  }
0x129: {  	v26 =	vor.u32 v1, v26;
	_ =	sdelay $0x3  }
0x12a: {  	s17 =	simm.s32 $0x2D00  }
0x12b: {  	v27 =	vor.u32 s28, v6;
	v26 =	vld.idx.msk [tilespmem:v26+s17+$0x0], $0xffff;
	_ =	sdelay $0x4  }
0x12c: {  	[tilespmem:v27+s0+$0x0] =	vst.idx.msk $0xffff, v26  }
0x12d: {  	v26 =	vld [tilespmem:s24+$0xFFFFFFFE];
	_ =	sdelay $0x4  }
0x12e: {  	(v2sf) =	vpush v26, $0x0;
	_ =	sdelay $0xe  }
0x12f: {  	s29 =	spop (v2sf)  }
0x130: {  	s29 =	sand.u32 $0xFFFFF80, s29  }
0x131: {  	s18 =	simm.s32 $0xE;
	s29 =	sadd.s32 s1, s29  }
0x132: {  	[tilespmem:s17], [sflag:$0x6] =	stream.strided.gather [hbm4b:s29+s12], $0x800, s13, s12, $0x38;
	[tilespmem:$0xC500] =	vst v63  }
0x133: {  	_ =	swait.ge [sflag:s18], $0x800  }
0x134: {  	[sflag:s18] =	ssyncset.done $0x0  }
0x135: {  	[sflag:s18] =	ssyncadd.s32 $0xFFFFF800  }
0x136: {  	v25 =	vld.idx.msk [tilespmem:v25+s11+$0x0], $0xffff;
	_ =	sdelay $0x4  }
0x137: {  	v25 =	vand.u32 $0x7F, v25  }
0x138: {  	v25 =	vor.u32 v1, v25;
	_ =	sdelay $0x3  }
0x139: {  	s18 =	simm.s32 $0x6D00  }
0x13a: {  	v25 =	vld.idx.msk [tilespmem:v25+s18+$0x0], $0xffff;
	_ =	sdelay $0x4  }
0x13b: {  	[tilespmem:v27+s5+$0x0] =	vst.idx.msk $0xffff, v25  }
0x13c: {  	v25 =	vld [tilespmem:s23+$0xFFFFFFFE];
	_ =	sdelay $0x4  }
0x13d: {  	(v2sf) =	vpush v25, $0x0;
	_ =	sdelay $0xc  }
0x13e: {  	s29 =	sadd.s32 $0xFFFFFFFF, s25  }
0x13f: {  	v25 =	vmov s29  }
0x140: {  	v25 =	vand.u32 $0xFFFFFFFE, v25;
	s29 =	spop (v2sf)  }
0x141: {  	v25 =	vbroadcast v25, $0x0;
	s29 =	sand.u32 $0xFFFFF80, s29  }
0x142: {  	s19 =	simm.s32 $0x7;
	s29 =	sadd.s32 s3, s29  }
0x143: {  	[tilespmem:s18], [sflag:$0xE] =	stream.strided.gather [hbm4b:s29+s12], $0x800, s13, s12, $0x38;
	[tilespmem:$0xC500] =	vst v63  }
0x144: {  	_ =	swait.ge [sflag:s19], $0x800  }
0x145: {  	[sflag:s19] =	ssyncset.done $0x0  }
0x146: {  	[sflag:s19] =	ssyncadd.s32 $0xFFFFF800  }
0x147: {  	v26 =	vld.idx.msk [tilespmem:v25+s4+$0x0], $0xffff;
	_ =	sdelay $0x4  }
0x148: {  	v26 =	vand.u32 $0x7F, v26  }
0x149: {  	v26 =	vor.u32 v1, v26;
	_ =	sdelay $0x3  }
0x14a: {  	s19 =	simm.s32 $0x3500  }
0x14b: {  	v27 =	vor.u32 s28, v7;
	v26 =	vld.idx.msk [tilespmem:v26+s19+$0x0], $0xffff;
	_ =	sdelay $0x4  }
0x14c: {  	[tilespmem:v27+s0+$0x0] =	vst.idx.msk $0xffff, v26  }
0x14d: {  	v26 =	vld [tilespmem:s24+$0xFFFFFFFF];
	_ =	sdelay $0x4  }
0x14e: {  	(v2sf) =	vpush v26, $0x0;
	_ =	sdelay $0xe  }
0x14f: {  	s29 =	spop (v2sf)  }
0x150: {  	s29 =	sand.u32 $0xFFFFF80, s29  }
0x151: {  	s20 =	simm.s32 $0xF;
	s29 =	sadd.s32 s1, s29  }
0x152: {  	[tilespmem:s19], [sflag:$0x7] =	stream.strided.gather [hbm4b:s29+s12], $0x800, s13, s12, $0x38;
	[tilespmem:$0xC500] =	vst v63  }
0x153: {  	_ =	swait.ge [sflag:s20], $0x800  }
0x154: {  	[sflag:s20] =	ssyncset.done $0x0  }
0x155: {  	[sflag:s20] =	ssyncadd.s32 $0xFFFFF800  }
0x156: {  	v25 =	vld.idx.msk [tilespmem:v25+s11+$0x0], $0xffff;
	_ =	sdelay $0x4  }
0x157: {  	v25 =	vand.u32 $0x7F, v25  }
0x158: {  	v25 =	vor.u32 v1, v25;
	_ =	sdelay $0x3  }
0x159: {  	s20 =	simm.s32 $0x7500  }
0x15a: {  	v25 =	vld.idx.msk [tilespmem:v25+s20+$0x0], $0xffff;
	_ =	sdelay $0x4  }
0x15b: {  	[tilespmem:v27+s5+$0x0] =	vst.idx.msk $0xffff, v25  }
0x15c: {  	v25 =	vld [tilespmem:s23+$0xFFFFFFFF];
	_ =	sdelay $0x4  }
0x15d: {  	(v2sf) =	vpush v25, $0x0;
	_ =	sdelay $0xe  }
0x15e: {  	s29 =	spop (v2sf)  }
0x15f: {  	s29 =	sand.u32 $0xFFFFF80, s29  }
0x160: {  	s21 =	simm.s32 $0x8;
	v25 =	vmov s25;
	s29 =	sadd.s32 s3, s29  }
0x161: {  	[tilespmem:s20], [sflag:$0xF] =	stream.strided.gather [hbm4b:s29+s12], $0x800, s13, s12, $0x38;
	[tilespmem:$0xC500] =	vst v63  }
0x162: {  	_ =	swait.ge [sflag:s21], $0x800  }
0x163: {  	[sflag:s21] =	ssyncset.done $0x0  }
0x164: {  	[sflag:s21] =	ssyncadd.s32 $0xFFFFF800  }
0x165: {  	v26 =	vld.idx.msk [tilespmem:v25+s4+$0x0], $0xffff;
	_ =	sdelay $0x4  }
0x166: {  	v26 =	vand.u32 $0x7F, v26  }
0x167: {  	v26 =	vor.u32 v1, v26;
	_ =	sdelay $0x3  }
0x168: {  	s29 =	simm.s32 $0x3D00  }
0x169: {  	v27 =	vor.u32 s28, v8;
	v26 =	vld.idx.msk [tilespmem:v26+s29+$0x0], $0xffff;
	_ =	sdelay $0x4  }
0x16a: {  	[tilespmem:v27+s0+$0x0] =	vst.idx.msk $0xffff, v26  }
0x16b: {  	v26 =	vld [tilespmem:s24+$0x0];
	_ =	sdelay $0x4  }
0x16c: {  	(v2sf) =	vpush v26, $0x0;
	_ =	sdelay $0xe  }
0x16d: {  	s21 =	spop (v2sf)  }
0x16e: {  	s28 =	sand.u32 $0xFFFFF80, s21  }
0x16f: {  	s28 =	sadd.s32 s1, s28  }
0x170: {  	[tilespmem:s29], [sflag:$0x8] =	stream.strided.gather [hbm4b:s28+s12], $0x800, s13, s12, $0x38;
	[tilespmem:$0xC500] =	vst v63  }
0x171: {  	s28 =	simm.s32 $0x10  }
0x172: {  	_ =	swait.ge [sflag:s28], $0x800  }
0x173: {  	[sflag:s28] =	ssyncset.done $0x0  }
0x174: {  	[sflag:s28] =	ssyncadd.s32 $0xFFFFF800  }
0x175: {  	v25 =	vld.idx.msk [tilespmem:v25+s11+$0x0], $0xffff;
	_ =	sdelay $0x4  }
0x176: {  	v25 =	vand.u32 $0x7F, v25  }
0x177: {  	v25 =	vor.u32 v1, v25;
	_ =	sdelay $0x3  }
0x178: {  	s21 =	simm.s32 $0x7D00  }
0x179: {  	v25 =	vld.idx.msk [tilespmem:v25+s21+$0x0], $0xffff;
	_ =	sdelay $0x4  }
0x17a: {  	[tilespmem:v27+s5+$0x0] =	vst.idx.msk $0xffff, v25  }
0x17b: {  	v25 =	vld [tilespmem:s23+$0x0];
	_ =	sdelay $0x4  }
0x17c: {  	(v2sf) =	vpush v25, $0x0;
	_ =	sdelay $0x9  }
0x17d: {  	s30 =	simm.s32 $0x500;
	p0 =	sne.s32 s25, $0x1F7  }
0x17e: {  	s26 =	sadd.s32 $0x1, s26;
	s31 =	simm.s32 $0x4500;
	s2 =	simm.s32 $0xD00  }
0x17f: {  	s6 =	simm.s32 $0x4D00;
	s7 =	simm.s32 $0x1500;
	s8 =	simm.s32 $0x5500  }
0x180: {  	s9 =	simm.s32 $0x1D00;
	s10 =	simm.s32 $0x5D00;
	s14 =	simm.s32 $0x2500  }
0x181: {  	s15 =	simm.s32 $0x6500;
	s16 =	simm.s32 $0x2D00;
	s17 =	simm.s32 $0x6D00  }
.Ltmp0:
0x182: {  	s18 =	simm.s32 $0x3500;
	s28 =	spop (v2sf);
	(pc) =	sbr.rel @p0 .LBB2_2-.Ltmp0, $4  }
0x183: {  	s19 =	simm.s32 $0x7500;
	s25 =	sadd.s32 $0x8, s25;
	s28 =	sand.u32 $0xFFFFF80, s28  }
0x184: {  	s20 =	simm.s32 $0x3D00;
	s24 =	sadd.s32 $0x8, s24;
	s28 =	sadd.s32 s3, s28  }
0x185: {  	[tilespmem:s21], [sflag:$0x10] =	stream.strided.gather [hbm4b:s28+s12], $0x800, s13, s12, $0x38;
	[tilespmem:$0xC500] =	vst v63  }
0x186: {  	s29 =	simm.s32 $0x7D00;
	s23 =	sadd.s32 $0x8, s23;
	s21 =	simm.s32 $0x1  }
0x187: {  	_ = 	snop  }
0x188: {  	_ =	swait.ge [sflag:s21], $0x800  }
0x189: {  	[sflag:s21] =	ssyncset.done $0x0  }
0x18a: {  	[sflag:s21] =	ssyncadd.s32 $0xFFFFF800  }
0x18b: {  	v25 =	vld.idx.msk [tilespmem:v9+s4+$0x0], $0xffff;
	_ =	sdelay $0x4  }
0x18c: {  	v25 =	vand.u32 $0x7F, v25  }
0x18d: {  	v25 =	vor.u32 v1, v25;
	_ =	sdelay $0x4  }
0x18e: {  	v25 =	vld.idx.msk [tilespmem:v25+s30+$0x0], $0xffff;
	_ =	sdelay $0x4  }
0x18f: {  	[tilespmem:v10+s0+$0x0] =	vst.idx.msk $0xffff, v25  }
0x190: {  	_ =	swait.ge [sflag:s22], $0x800  }
0x191: {  	[sflag:s22] =	ssyncset.done $0x0  }
0x192: {  	[sflag:s22] =	ssyncadd.s32 $0xFFFFF800  }
0x193: {  	v25 =	vld.idx.msk [tilespmem:v9+s11+$0x0], $0xffff;
	_ =	sdelay $0x4  }
0x194: {  	v25 =	vand.u32 $0x7F, v25  }
0x195: {  	v25 =	vor.u32 v1, v25;
	_ =	sdelay $0x4  }
0x196: {  	v25 =	vld.idx.msk [tilespmem:v25+s31+$0x0], $0xffff;
	_ =	sdelay $0x4  }
0x197: {  	s26 =	simm.s32 $0x2;
	[tilespmem:v10+s5+$0x0] =	vst.idx.msk $0xffff, v25  }
0x198: {  	_ =	swait.ge [sflag:s26], $0x800  }
0x199: {  	[sflag:s26] =	ssyncset.done $0x0  }
0x19a: {  	[sflag:s26] =	ssyncadd.s32 $0xFFFFF800  }
0x19b: {  	v25 =	vld.idx.msk [tilespmem:v11+s4+$0x0], $0xffff;
	_ =	sdelay $0x4  }
0x19c: {  	v25 =	vand.u32 $0x7F, v25  }
0x19d: {  	v25 =	vor.u32 v1, v25;
	_ =	sdelay $0x4  }
0x19e: {  	v25 =	vld.idx.msk [tilespmem:v25+s2+$0x0], $0xffff;
	_ =	sdelay $0x4  }
0x19f: {  	s28 =	simm.s32 $0xA;
	[tilespmem:v12+s0+$0x0] =	vst.idx.msk $0xffff, v25  }
0x1a0: {  	_ =	swait.ge [sflag:s28], $0x800  }
0x1a1: {  	[sflag:s28] =	ssyncset.done $0x0  }
0x1a2: {  	[sflag:s28] =	ssyncadd.s32 $0xFFFFF800  }
0x1a3: {  	v25 =	vld.idx.msk [tilespmem:v11+s11+$0x0], $0xffff;
	_ =	sdelay $0x4  }
0x1a4: {  	v25 =	vand.u32 $0x7F, v25  }
0x1a5: {  	v25 =	vor.u32 v1, v25;
	_ =	sdelay $0x4  }
0x1a6: {  	v25 =	vld.idx.msk [tilespmem:v25+s6+$0x0], $0xffff;
	_ =	sdelay $0x4  }
0x1a7: {  	s23 =	simm.s32 $0x3;
	[tilespmem:v12+s5+$0x0] =	vst.idx.msk $0xffff, v25  }
0x1a8: {  	_ =	swait.ge [sflag:s23], $0x800  }
0x1a9: {  	[sflag:s23] =	ssyncset.done $0x0  }
0x1aa: {  	[sflag:s23] =	ssyncadd.s32 $0xFFFFF800  }
0x1ab: {  	v25 =	vld.idx.msk [tilespmem:v13+s4+$0x0], $0xffff;
	_ =	sdelay $0x4  }
0x1ac: {  	v25 =	vand.u32 $0x7F, v25  }
0x1ad: {  	v25 =	vor.u32 v1, v25;
	_ =	sdelay $0x4  }
0x1ae: {  	v25 =	vld.idx.msk [tilespmem:v25+s7+$0x0], $0xffff;
	_ =	sdelay $0x4  }
0x1af: {  	s24 =	simm.s32 $0xB;
	[tilespmem:v14+s0+$0x0] =	vst.idx.msk $0xffff, v25  }
0x1b0: {  	_ =	swait.ge [sflag:s24], $0x800  }
0x1b1: {  	[sflag:s24] =	ssyncset.done $0x0  }
0x1b2: {  	[sflag:s24] =	ssyncadd.s32 $0xFFFFF800  }
0x1b3: {  	v25 =	vld.idx.msk [tilespmem:v13+s11+$0x0], $0xffff;
	_ =	sdelay $0x4  }
0x1b4: {  	v25 =	vand.u32 $0x7F, v25  }
0x1b5: {  	v25 =	vor.u32 v1, v25;
	_ =	sdelay $0x4  }
0x1b6: {  	v25 =	vld.idx.msk [tilespmem:v25+s8+$0x0], $0xffff;
	_ =	sdelay $0x4  }
0x1b7: {  	s25 =	simm.s32 $0x4;
	[tilespmem:v14+s5+$0x0] =	vst.idx.msk $0xffff, v25  }
0x1b8: {  	_ =	swait.ge [sflag:s25], $0x800  }
0x1b9: {  	[sflag:s25] =	ssyncset.done $0x0  }
0x1ba: {  	[sflag:s25] =	ssyncadd.s32 $0xFFFFF800  }
0x1bb: {  	v25 =	vld.idx.msk [tilespmem:v15+s4+$0x0], $0xffff;
	_ =	sdelay $0x4  }
0x1bc: {  	v25 =	vand.u32 $0x7F, v25  }
0x1bd: {  	v25 =	vor.u32 v1, v25;
	_ =	sdelay $0x4  }
0x1be: {  	v25 =	vld.idx.msk [tilespmem:v25+s9+$0x0], $0xffff;
	_ =	sdelay $0x4  }
0x1bf: {  	s26 =	simm.s32 $0xC;
	[tilespmem:v16+s0+$0x0] =	vst.idx.msk $0xffff, v25  }
0x1c0: {  	_ =	swait.ge [sflag:s26], $0x800  }
0x1c1: {  	[sflag:s26] =	ssyncset.done $0x0  }
0x1c2: {  	[sflag:s26] =	ssyncadd.s32 $0xFFFFF800  }
0x1c3: {  	v25 =	vld.idx.msk [tilespmem:v15+s11+$0x0], $0xffff;
	_ =	sdelay $0x4  }
0x1c4: {  	v25 =	vand.u32 $0x7F, v25  }
0x1c5: {  	v25 =	vor.u32 v1, v25;
	_ =	sdelay $0x4  }
0x1c6: {  	v25 =	vld.idx.msk [tilespmem:v25+s10+$0x0], $0xffff;
	_ =	sdelay $0x4  }
0x1c7: {  	s28 =	simm.s32 $0x5;
	[tilespmem:v16+s5+$0x0] =	vst.idx.msk $0xffff, v25  }
0x1c8: {  	_ =	swait.ge [sflag:s28], $0x800  }
0x1c9: {  	[sflag:s28] =	ssyncset.done $0x0  }
0x1ca: {  	[sflag:s28] =	ssyncadd.s32 $0xFFFFF800  }
0x1cb: {  	v25 =	vld.idx.msk [tilespmem:v17+s4+$0x0], $0xffff;
	_ =	sdelay $0x4  }
0x1cc: {  	v25 =	vand.u32 $0x7F, v25  }
0x1cd: {  	v25 =	vor.u32 v1, v25;
	_ =	sdelay $0x4  }
0x1ce: {  	v25 =	vld.idx.msk [tilespmem:v25+s14+$0x0], $0xffff;
	_ =	sdelay $0x4  }
0x1cf: {  	s23 =	simm.s32 $0xD;
	[tilespmem:v18+s0+$0x0] =	vst.idx.msk $0xffff, v25  }
0x1d0: {  	_ =	swait.ge [sflag:s23], $0x800  }
0x1d1: {  	[sflag:s23] =	ssyncset.done $0x0  }
0x1d2: {  	[sflag:s23] =	ssyncadd.s32 $0xFFFFF800  }
0x1d3: {  	v25 =	vld.idx.msk [tilespmem:v17+s11+$0x0], $0xffff;
	_ =	sdelay $0x4  }
0x1d4: {  	v25 =	vand.u32 $0x7F, v25  }
0x1d5: {  	v25 =	vor.u32 v1, v25;
	_ =	sdelay $0x4  }
0x1d6: {  	v25 =	vld.idx.msk [tilespmem:v25+s15+$0x0], $0xffff;
	_ =	sdelay $0x4  }
0x1d7: {  	s24 =	simm.s32 $0x6;
	[tilespmem:v18+s5+$0x0] =	vst.idx.msk $0xffff, v25  }
0x1d8: {  	_ =	swait.ge [sflag:s24], $0x800  }
0x1d9: {  	[sflag:s24] =	ssyncset.done $0x0  }
0x1da: {  	[sflag:s24] =	ssyncadd.s32 $0xFFFFF800  }
0x1db: {  	v25 =	vld.idx.msk [tilespmem:v19+s4+$0x0], $0xffff;
	_ =	sdelay $0x4  }
0x1dc: {  	v25 =	vand.u32 $0x7F, v25  }
0x1dd: {  	v25 =	vor.u32 v1, v25;
	_ =	sdelay $0x4  }
0x1de: {  	v25 =	vld.idx.msk [tilespmem:v25+s16+$0x0], $0xffff;
	_ =	sdelay $0x4  }
0x1df: {  	s25 =	simm.s32 $0xE;
	[tilespmem:v20+s0+$0x0] =	vst.idx.msk $0xffff, v25  }
0x1e0: {  	_ =	swait.ge [sflag:s25], $0x800  }
0x1e1: {  	[sflag:s25] =	ssyncset.done $0x0  }
0x1e2: {  	[sflag:s25] =	ssyncadd.s32 $0xFFFFF800  }
0x1e3: {  	v25 =	vld.idx.msk [tilespmem:v19+s11+$0x0], $0xffff;
	_ =	sdelay $0x4  }
0x1e4: {  	v25 =	vand.u32 $0x7F, v25  }
0x1e5: {  	v25 =	vor.u32 v1, v25;
	_ =	sdelay $0x4  }
0x1e6: {  	v25 =	vld.idx.msk [tilespmem:v25+s17+$0x0], $0xffff;
	_ =	sdelay $0x4  }
0x1e7: {  	s26 =	simm.s32 $0x7;
	[tilespmem:v20+s5+$0x0] =	vst.idx.msk $0xffff, v25  }
0x1e8: {  	_ =	swait.ge [sflag:s26], $0x800  }
0x1e9: {  	[sflag:s26] =	ssyncset.done $0x0  }
0x1ea: {  	[sflag:s26] =	ssyncadd.s32 $0xFFFFF800  }
0x1eb: {  	v25 =	vld.idx.msk [tilespmem:v21+s4+$0x0], $0xffff;
	_ =	sdelay $0x4  }
0x1ec: {  	v25 =	vand.u32 $0x7F, v25  }
0x1ed: {  	v25 =	vor.u32 v1, v25;
	_ =	sdelay $0x4  }
0x1ee: {  	v25 =	vld.idx.msk [tilespmem:v25+s18+$0x0], $0xffff;
	_ =	sdelay $0x4  }
0x1ef: {  	s28 =	simm.s32 $0xF;
	[tilespmem:v22+s0+$0x0] =	vst.idx.msk $0xffff, v25  }
0x1f0: {  	_ =	swait.ge [sflag:s28], $0x800  }
0x1f1: {  	[sflag:s28] =	ssyncset.done $0x0  }
0x1f2: {  	[sflag:s28] =	ssyncadd.s32 $0xFFFFF800  }
0x1f3: {  	v25 =	vld.idx.msk [tilespmem:v21+s11+$0x0], $0xffff;
	_ =	sdelay $0x4  }
0x1f4: {  	v25 =	vand.u32 $0x7F, v25  }
0x1f5: {  	v25 =	vor.u32 v1, v25;
	_ =	sdelay $0x4  }
0x1f6: {  	v25 =	vld.idx.msk [tilespmem:v25+s19+$0x0], $0xffff;
	_ =	sdelay $0x4  }
0x1f7: {  	s23 =	simm.s32 $0x8;
	[tilespmem:v22+s5+$0x0] =	vst.idx.msk $0xffff, v25  }
0x1f8: {  	_ =	swait.ge [sflag:s23], $0x800  }
0x1f9: {  	[sflag:s23] =	ssyncset.done $0x0  }
0x1fa: {  	[sflag:s23] =	ssyncadd.s32 $0xFFFFF800  }
0x1fb: {  	v25 =	vld.idx.msk [tilespmem:v23+s4+$0x0], $0xffff;
	_ =	sdelay $0x4  }
0x1fc: {  	v25 =	vand.u32 $0x7F, v25  }
0x1fd: {  	v25 =	vor.u32 v1, v25;
	_ =	sdelay $0x4  }
0x1fe: {  	v25 =	vld.idx.msk [tilespmem:v25+s20+$0x0], $0xffff;
	_ =	sdelay $0x4  }
0x1ff: {  	s24 =	simm.s32 $0x10;
	[tilespmem:v24+s0+$0x0] =	vst.idx.msk $0xffff, v25  }
0x200: {  	_ =	swait.ge [sflag:s24], $0x800  }
0x201: {  	[sflag:s24] =	ssyncset.done $0x0  }
0x202: {  	[sflag:s24] =	ssyncadd.s32 $0xFFFFF800  }
0x203: {  	v25 =	vld.idx.msk [tilespmem:v23+s11+$0x0], $0xffff;
	_ =	sdelay $0x4  }
0x204: {  	v25 =	vand.u32 $0x7F, v25  }
0x205: {  	v25 =	vor.u32 v1, v25;
	_ =	sdelay $0x4  }
0x206: {  	v25 =	vld.idx.msk [tilespmem:v25+s29+$0x0], $0xffff;
	_ =	sdelay $0x4  }
0x207: {  	s23 =	rddreg [dreg:$0x7];
	s24 =	simm.s32 $0x11;
	[tilespmem:v24+s5+$0x0] =	vst.idx.msk $0xffff, v25  }
0x208: {  	[hbm4b:s23+s4] =	stream.linear.scatter [tilespmem:s0], [sflag:$0x11], $0x2000, $0x38;
	[tilespmem:$0xC500] =	vst v63  }
0x209: {  	_ =	swait.ge [sflag:s24], $0x2000  }
0x20a: {  	[sflag:s24] =	ssyncset.done $0x0  }
0x20b: {  	s25 =	rddreg [dreg:$0x8];
	[sflag:s24] =	ssyncadd.s32 $0xFFFFE000  }
0x20c: {  	[hbm4b:s25+s4] =	stream.linear.scatter [tilespmem:s5], [sflag:$0x11], $0x2000, $0x38;
	[tilespmem:$0xC500] =	vst v63  }
0x20d: {  	_ =	swait.ge [sflag:s24], $0x2000  }
0x20e: {  	s26 =	rddreg [dreg:$0xa]  }
0x20f: {  	s28 =	rddreg [dreg:$0x9];
	s22 =	sadd.s32 $0x1, s26  }
0x210: {  	p0 =	sne.s32 s22, s28  }
.Ltmp1:
0x211: {  	_ = 	snop;
	(pc) =	sbr.rel @p0 .LBB2_1-.Ltmp1, $3  }
0x212: {  	_ =	sdelay $0x1  }
0x213: {  	[sflag:s24] =	ssyncset.done $0x0  }
0x214: {  	[sflag:s24] =	ssyncadd.s32 $0xFFFFE000  }
0x215: {  	_ =	sfence.sel $0x180000  }
0x216: {  	[bflag:$0x0] =	sbarrier.arrive $0xFFFF  }
0x217: {  	_ =	strace $0x90000047  }
0x218: {  	s0 =	stileid.u32;
	[bflag:$0x2] =	sbarrier.arrive $0xFFFF  }
0x219: {  	p0 =	sne.s32 s0, $0x0;
	s0 =	rddreg [dreg:$0x4]  }
0x21a: {  	s0 =	sadd.s32 @!p0 $0x100000, s0  }
0x21b: {  	[sflag:s0] =	ssyncadd.tile.s32 @!p0 $0x1;
	_ =	shalt  }
.Lfunc_end2:
_tile_overlayer_lowered:
.L_overlay_start_2:
0x21c: {  	(tag) =	ssettag $0x2  }
0x21d: {  	s0 =	rddreg [dreg:$0x0];
	s2 =	stileid.u32  }
0x21e: {  	s1 =	rddreg [dreg:$0x1];
	p0 =	sne.s32 s2, $0x0  }
0x21f: {  	s3 =	rddreg [dreg:$0x2];
	[bflag:$0x3] =	sbarrier.arrive $0xFFFF;
	s2 =	simm.s32 @!p0 $0x1C11  }
0x220: {  	[timem:s3], [sflag:s2] =	dma.local @!p0 [hbm:s0], s1  }
0x221: {  	s0 =	simm.s32 @!p0 $0x11  }
0x222: {  	_ =	swait.ge @!p0 [sflag:s0], s1  }
0x223: {  	s1 =	ssub.s32 @!p0 $0x0, s1;
	[sflag:s0] =	ssyncset.done @!p0 $0x0  }
0x224: {  	[sflag:s0] =	ssyncadd.s32 @!p0 s1  }
0x225: {  	[bflag:$0x3] =	sbarrier.arrive $0xFFFF  }
0x226: {  	_ =	shalt  }

</sc_bundles>
